<compile_context>
chip_gen: v7x
topology: tpu7x:2x2x1
jax: 0.10.2.dev20260603
libtpu: 0.0.44.dev20260713+nightly
codegen_flags: <defaults>
</compile_context>

<pallas_src>
import jax
import jax.numpy as jnp
from jax import lax
from jax.experimental import pallas as pl
from jax.experimental.pallas import tpu as pltpu
from jax.experimental.pallas import tpu_sc as plsc

B, C, H, W = 16, 64, 128, 128
HW = H * W
K = 500
NW = 32
PAIRS = 256
NIDX = PAIRS * C
KHI = K - PAIRS
NQ = 4
QP = PAIRS // NQ
QIDX = NIDX // NQ


def _sc_loss_kernel(outflat, ind2d, mask_in, targ_in, out_hbm,
                    ind_v, idx_v, pred_v, mask_v, targ_v, out_v,
                    sem_g, sem_m, sem_t):
    cid = lax.axis_index("c")
    sid = lax.axis_index("s")
    row = cid * 16 + sid
    boff = sid * (C * HW)

    pltpu.sync_copy(ind2d.at[row], ind_v)

    @pl.when(cid == 0)
    def _():
        pltpu.async_copy(mask_in.at[sid, pl.ds(0, PAIRS)],
                         mask_v.at[pl.ds(0, PAIRS)], sem_m)
        pltpu.async_copy(targ_in.at[sid, pl.ds(0, PAIRS)],
                         targ_v.at[pl.ds(0, PAIRS)], sem_t)

    @pl.when(cid == 1)
    def _():
        pltpu.async_copy(mask_in.at[sid, pl.ds(PAIRS, KHI)],
                         mask_v.at[pl.ds(0, KHI)], sem_m)
        pltpu.async_copy(targ_in.at[sid, pl.ds(PAIRS, KHI)],
                         targ_v.at[pl.ds(0, KHI)], sem_t)

    lanes = lax.iota(jnp.int32, 16)
    coffs = [lanes * HW + (q * 16 * HW) for q in range(4)]

    def build(p, _):
        blk = (p // 16) * 16
        ivec = ind_v[pl.ds(blk, 16)] + boff
        av = ivec.at[lanes * 0 + (p - blk)].get(mode="promise_in_bounds")
        for q in range(4):
            idx_v[pl.ds(p * C + q * 16, 16)] = av + coffs[q]
        return 0

    for qq in range(NQ):
        lax.fori_loop(qq * QP, (qq + 1) * QP, build, 0)
        sl = pl.ds(qq * QIDX, QIDX)
        pltpu.async_copy(outflat.at[idx_v.at[sl]], pred_v.at[sl], sem_g)

    @pl.when(cid == 0)
    def _():
        pltpu.make_async_copy(mask_in.at[sid, pl.ds(0, PAIRS)],
                              mask_v.at[pl.ds(0, PAIRS)], sem_m).wait()
        pltpu.make_async_copy(targ_in.at[sid, pl.ds(0, PAIRS)],
                              targ_v.at[pl.ds(0, PAIRS)], sem_t).wait()

    @pl.when(cid == 1)
    def _():
        pltpu.make_async_copy(mask_in.at[sid, pl.ds(PAIRS, KHI)],
                              mask_v.at[pl.ds(0, KHI)], sem_m).wait()
        pltpu.make_async_copy(targ_in.at[sid, pl.ds(PAIRS, KHI)],
                              targ_v.at[pl.ds(0, KHI)], sem_t).wait()

    npairs = jnp.where(cid == 0, PAIRS, KHI)
    zero = jnp.zeros((16,), jnp.float32)

    def accum(r, carry):
        aabs, am = carry
        for q in range(4):
            sl = pl.ds(q * 16, 16)
            v = pred_v[pl.ds(r * C + q * 16, 16)]
            m = mask_v[r, sl]
            t = targ_v[r, sl]
            aabs = aabs + jnp.abs(v * m - t * m)
            am = am + m
        return (aabs, am)

    acc = (zero, zero)
    for qq in range(NQ):
        sl = pl.ds(qq * QIDX, QIDX)
        pltpu.make_async_copy(outflat.at[idx_v.at[sl]], pred_v.at[sl],
                              sem_g).wait()
        hi = jnp.minimum((qq + 1) * QP, npairs)
        acc = lax.fori_loop(qq * QP, hi, accum, acc)

    out_v[pl.ds(0, 16)] = acc[0]
    out_v[pl.ds(16, 16)] = acc[1]
    pltpu.sync_copy(out_v, out_hbm.at[row])


@jax.jit
def kernel(output, mask, ind, target):
    outflat = output.reshape(-1)
    lo = ind[:, :PAIRS]
    hi = jnp.pad(ind[:, PAIRS:], ((0, 0), (0, PAIRS - KHI)))
    ind2d = jnp.concatenate([lo, hi], axis=0)

    mesh = plsc.VectorSubcoreMesh(core_axis_name="c", subcore_axis_name="s")
    partials = pl.kernel(
        _sc_loss_kernel,
        mesh=mesh,
        out_type=jax.ShapeDtypeStruct((NW, 32), jnp.float32),
        scratch_types=[
            pltpu.VMEM((PAIRS,), jnp.int32),
            pltpu.VMEM((NIDX,), jnp.int32),
            pltpu.VMEM((NIDX,), jnp.float32),
            pltpu.VMEM((PAIRS, C), jnp.float32),
            pltpu.VMEM((PAIRS, C), jnp.float32),
            pltpu.VMEM((32,), jnp.float32),
            pltpu.SemaphoreType.DMA,
            pltpu.SemaphoreType.DMA,
            pltpu.SemaphoreType.DMA,
        ],
    )(outflat, ind2d, mask, target)

    loss = jnp.sum(partials[:, :16]) / (jnp.sum(partials[:, 16:]) + 0.0001)
    return loss

# --- scband reference (transcript-rebuilt; emitter-appended) ---
"""Pipeline reference for scband-reg-weighted-l1-loss2-42399917146143 (READ-ONLY COPY).

The authoritative reference and input builder live on the scoring server;
editing this copy changes nothing except your own understanding.
"""

import jax, jax.numpy as jnp
import numpy as np


def setup_inputs(seed: int = 0) -> dict:
    key = jax.random.key(seed)
    k1, k2, k3, k4 = jax.random.split(key, 4)
    output = jax.random.normal(k1, (16, 64, 128, 128), dtype=jnp.float32)
    mask = jax.random.uniform(k2, (16, 500, 64), dtype=jnp.float32)
    ind = jax.random.randint(k3, (16, 500), 0, 16384, dtype=jnp.int32)
    target = jax.random.normal(k4, (16, 500, 64), dtype=jnp.float32)
    return {"output": output, "mask": mask, "ind": ind, "target": target}


def reference(output, mask, ind, target):
    B, C, H, W = output.shape
    K = ind.shape[1]
    # transpose_and_gather_feat: [B,C,H,W] -> [B,H*W,C], then gather along dim 1
    feat = jnp.transpose(output, (0, 2, 3, 1)).reshape(B, H * W, C)
    idx = jnp.broadcast_to(ind[:, :, None], (B, K, C))
    pred = jnp.take_along_axis(feat, idx, axis=1)  # [B, K, C]
    m = mask.astype(jnp.float32)
    # F.l1_loss(pred*mask, target*mask, size_average=False) -> sum reduction
    loss = jnp.sum(jnp.abs(pred * m - target * m))
    loss = loss / (jnp.sum(m) + 0.0001)
    return loss

if __name__ == "__main__":
    import jax
    _d = setup_inputs()
    print(jax.jit(kernel)(*tuple(_d.values())))

</pallas_src>

<mosaic_0001>
#map = affine_map<(d0, d1) -> (0)>
#map1 = affine_map<(d0, d1) -> (0, 0)>
#map2 = affine_map<(d0, d1) -> (0, 0, 0)>
module attributes {stable_mosaic.version = 14 : i64} {
  func.func @_sc_loss_kernel(%arg0: i32, %arg1: i32, %arg2: memref<16777216xf32, #tpu.memory_space<hbm>>, %arg3: memref<32x256xi32, #tpu.memory_space<hbm>>, %arg4: memref<16x500x64xf32, #tpu.memory_space<hbm>>, %arg5: memref<16x500x64xf32, #tpu.memory_space<hbm>>, %arg6: memref<32x32xf32, #tpu.memory_space<hbm>>, %arg7: memref<256xi32, #tpu.memory_space<vmem>>, %arg8: memref<16384xi32, #tpu.memory_space<vmem>>, %arg9: memref<16384xf32, #tpu.memory_space<vmem>>, %arg10: memref<256x64xf32, #tpu.memory_space<vmem>>, %arg11: memref<256x64xf32, #tpu.memory_space<vmem>>, %arg12: memref<32xf32, #tpu.memory_space<vmem>>, %arg13: memref<!tpu.dma_semaphore, #tpu.memory_space<semaphore_mem>>, %arg14: memref<!tpu.dma_semaphore, #tpu.memory_space<semaphore_mem>>, %arg15: memref<!tpu.dma_semaphore, #tpu.memory_space<semaphore_mem>>) attributes {dimension_semantics = [#tpu.dimension_semantics<core_parallel>, #tpu.dimension_semantics<subcore_parallel>], iteration_bounds = array<i64: 2, 16>, scalar_prefetch = 0 : i64, scratch_operands = 9 : i64, tpu.core_type = #tpu.core_type<sc_vector_subcore>, window_params = [{transform_indices = #map}, {transform_indices = #map1}, {transform_indices = #map2}, {transform_indices = #map2}, {transform_indices = #map1}]} {
    %mul3A = arith.constant 16 : i32
    %mul3A_0 = arith.muli %arg0, %mul3A : i32
    %add3A = arith.addi %mul3A_0, %arg1 : i32
    %mul3A_1 = arith.constant 1048576 : i32
    %mul3A_2 = arith.muli %arg1, %mul3A_1 : i32
    "tpu.region"() ({
      %run_scoped3A = tpu.sem_alloc : memref<!tpu.dma_semaphore, #tpu.memory_space<semaphore_mem>>
      %dma_start3A_178 = arith.constant 0 : i32
      %dma_start3A_179 = tpu.memref_slice %arg3[%add3A, %dma_start3A_178] : memref<32x256xi32, #tpu.memory_space<hbm>> -> memref<1x256xi32, #tpu.memory_space<hbm>>
      %dma_start3A_180 = tpu.memref_squeeze %dma_start3A_179 : memref<1x256xi32, #tpu.memory_space<hbm>> -> memref<256xi32, #tpu.memory_space<hbm>>
      %dma_start3A_181 = arith.constant 0 : i32
      %dma_start3A_182 = tpu.memref_slice %arg3[%add3A, %dma_start3A_181] : memref<32x256xi32, #tpu.memory_space<hbm>> -> memref<1x256xi32, #tpu.memory_space<hbm>>
      %dma_start3A_183 = tpu.memref_squeeze %dma_start3A_182 : memref<1x256xi32, #tpu.memory_space<hbm>> -> memref<256xi32, #tpu.memory_space<hbm>>
      tpu.enqueue_dma source(%dma_start3A_183 : memref<256xi32, #tpu.memory_space<hbm>>) target(%arg7 : memref<256xi32, #tpu.memory_space<vmem>>) target_semaphore(%run_scoped3A : memref<!tpu.dma_semaphore, #tpu.memory_space<semaphore_mem>>)
      %dma_wait3A_184 = arith.constant 0 : i32
      %dma_wait3A_185 = tpu.memref_slice %arg3[%add3A, %dma_wait3A_184] : memref<32x256xi32, #tpu.memory_space<hbm>> -> memref<1x256xi32, #tpu.memory_space<hbm>>
      %dma_wait3A_186 = tpu.memref_squeeze %dma_wait3A_185 : memref<1x256xi32, #tpu.memory_space<hbm>> -> memref<256xi32, #tpu.memory_space<hbm>>
      %dma_wait3A_187 = arith.constant 0 : i32
      %dma_wait3A_188 = tpu.memref_slice %arg3[%add3A, %dma_wait3A_187] : memref<32x256xi32, #tpu.memory_space<hbm>> -> memref<1x256xi32, #tpu.memory_space<hbm>>
      %dma_wait3A_189 = tpu.memref_squeeze %dma_wait3A_188 : memref<1x256xi32, #tpu.memory_space<hbm>> -> memref<256xi32, #tpu.memory_space<hbm>>
      tpu.wait_dma2 semaphore(%run_scoped3A : memref<!tpu.dma_semaphore, #tpu.memory_space<semaphore_mem>>) src(%dma_wait3A_189 : memref<256xi32, #tpu.memory_space<hbm>>) dst(%arg7 : memref<256xi32, #tpu.memory_space<vmem>>)
      tpu.yield
    }) : () -> ()
    %eq3A = arith.constant 0 : i32
    %eq3A_3 = arith.cmpi eq, %arg0, %eq3A : i32
    %convert_element_type3A = arith.extui %eq3A_3 : i1 to i32
    %cond3A = arith.constant 0 : i32
    %cond3A_4 = arith.cmpi ne, %convert_element_type3A, %cond3A : i32
    scf.if %cond3A_4 {
      %dma_start3A_178 = arith.constant 0 : i32
      %dma_start3A_179 = arith.constant 0 : i32
      %dma_start3A_180 = tpu.memref_slice %arg10[%dma_start3A_178, %dma_start3A_179] : memref<256x64xf32, #tpu.memory_space<vmem>> -> memref<256x64xf32, #tpu.memory_space<vmem>>
      %dma_start3A_181 = arith.constant 0 : i32
      %dma_start3A_182 = arith.constant 0 : i32
      %dma_start3A_183 = tpu.memref_slice %arg4[%arg1, %dma_start3A_181, %dma_start3A_182] : memref<16x500x64xf32, #tpu.memory_space<hbm>> -> memref<1x256x64xf32, #tpu.memory_space<hbm>>
      %dma_start3A_184 = tpu.memref_squeeze %dma_start3A_183 : memref<1x256x64xf32, #tpu.memory_space<hbm>> -> memref<256x64xf32, #tpu.memory_space<hbm>>
      %dma_start3A_185 = arith.constant 0 : i32
      %dma_start3A_186 = arith.constant 0 : i32
      %dma_start3A_187 = tpu.memref_slice %arg10[%dma_start3A_185, %dma_start3A_186] : memref<256x64xf32, #tpu.memory_space<vmem>> -> memref<256x64xf32, #tpu.memory_space<vmem>>
      %dma_start3A_188 = arith.constant 0 : i32
      %dma_start3A_189 = arith.constant 0 : i32
      %dma_start3A_190 = tpu.memref_slice %arg4[%arg1, %dma_start3A_188, %dma_start3A_189] : memref<16x500x64xf32, #tpu.memory_space<hbm>> -> memref<1x256x64xf32, #tpu.memory_space<hbm>>
      %dma_start3A_191 = tpu.memref_squeeze %dma_start3A_190 : memref<1x256x64xf32, #tpu.memory_space<hbm>> -> memref<256x64xf32, #tpu.memory_space<hbm>>
      tpu.enqueue_dma source(%dma_start3A_191 : memref<256x64xf32, #tpu.memory_space<hbm>>) target(%dma_start3A_187 : memref<256x64xf32, #tpu.memory_space<vmem>>) target_semaphore(%arg14 : memref<!tpu.dma_semaphore, #tpu.memory_space<semaphore_mem>>)
      %dma_start3A_192 = arith.constant 0 : i32
      %dma_start3A_193 = arith.constant 0 : i32
      %dma_start3A_194 = tpu.memref_slice %arg11[%dma_start3A_192, %dma_start3A_193] : memref<256x64xf32, #tpu.memory_space<vmem>> -> memref<256x64xf32, #tpu.memory_space<vmem>>
      %dma_start3A_195 = arith.constant 0 : i32
      %dma_start3A_196 = arith.constant 0 : i32
      %dma_start3A_197 = tpu.memref_slice %arg5[%arg1, %dma_start3A_195, %dma_start3A_196] : memref<16x500x64xf32, #tpu.memory_space<hbm>> -> memref<1x256x64xf32, #tpu.memory_space<hbm>>
      %dma_start3A_198 = tpu.memref_squeeze %dma_start3A_197 : memref<1x256x64xf32, #tpu.memory_space<hbm>> -> memref<256x64xf32, #tpu.memory_space<hbm>>
      %dma_start3A_199 = arith.constant 0 : i32
      %dma_start3A_200 = arith.constant 0 : i32
      %dma_start3A_201 = tpu.memref_slice %arg11[%dma_start3A_199, %dma_start3A_200] : memref<256x64xf32, #tpu.memory_space<vmem>> -> memref<256x64xf32, #tpu.memory_space<vmem>>
      %dma_start3A_202 = arith.constant 0 : i32
      %dma_start3A_203 = arith.constant 0 : i32
      %dma_start3A_204 = tpu.memref_slice %arg5[%arg1, %dma_start3A_202, %dma_start3A_203] : memref<16x500x64xf32, #tpu.memory_space<hbm>> -> memref<1x256x64xf32, #tpu.memory_space<hbm>>
      %dma_start3A_205 = tpu.memref_squeeze %dma_start3A_204 : memref<1x256x64xf32, #tpu.memory_space<hbm>> -> memref<256x64xf32, #tpu.memory_space<hbm>>
      tpu.enqueue_dma source(%dma_start3A_205 : memref<256x64xf32, #tpu.memory_space<hbm>>) target(%dma_start3A_201 : memref<256x64xf32, #tpu.memory_space<vmem>>) target_semaphore(%arg15 : memref<!tpu.dma_semaphore, #tpu.memory_space<semaphore_mem>>)
    } else {
    }
    %eq3A_5 = arith.constant 1 : i32
    %eq3A_6 = arith.cmpi eq, %arg0, %eq3A_5 : i32
    %convert_element_type3A_7 = arith.extui %eq3A_6 : i1 to i32
    %cond3A_8 = arith.constant 0 : i32
    %cond3A_9 = arith.cmpi ne, %convert_element_type3A_7, %cond3A_8 : i32
    scf.if %cond3A_9 {
      %dma_start3A_178 = arith.constant 0 : i32
      %dma_start3A_179 = arith.constant 0 : i32
      %dma_start3A_180 = tpu.memref_slice %arg10[%dma_start3A_178, %dma_start3A_179] : memref<256x64xf32, #tpu.memory_space<vmem>> -> memref<244x64xf32, #tpu.memory_space<vmem>>
      %dma_start3A_181 = arith.constant 256 : i32
      %dma_start3A_182 = arith.constant 0 : i32
      %dma_start3A_183 = tpu.memref_slice %arg4[%arg1, %dma_start3A_181, %dma_start3A_182] : memref<16x500x64xf32, #tpu.memory_space<hbm>> -> memref<1x244x64xf32, #tpu.memory_space<hbm>>
      %dma_start3A_184 = tpu.memref_squeeze %dma_start3A_183 : memref<1x244x64xf32, #tpu.memory_space<hbm>> -> memref<244x64xf32, #tpu.memory_space<hbm>>
      %dma_start3A_185 = arith.constant 0 : i32
      %dma_start3A_186 = arith.constant 0 : i32
      %dma_start3A_187 = tpu.memref_slice %arg10[%dma_start3A_185, %dma_start3A_186] : memref<256x64xf32, #tpu.memory_space<vmem>> -> memref<244x64xf32, #tpu.memory_space<vmem>>
      %dma_start3A_188 = arith.constant 256 : i32
      %dma_start3A_189 = arith.constant 0 : i32
      %dma_start3A_190 = tpu.memref_slice %arg4[%arg1, %dma_start3A_188, %dma_start3A_189] : memref<16x500x64xf32, #tpu.memory_space<hbm>> -> memref<1x244x64xf32, #tpu.memory_space<hbm>>
      %dma_start3A_191 = tpu.memref_squeeze %dma_start3A_190 : memref<1x244x64xf32, #tpu.memory_space<hbm>> -> memref<244x64xf32, #tpu.memory_space<hbm>>
      tpu.enqueue_dma source(%dma_start3A_191 : memref<244x64xf32, #tpu.memory_space<hbm>>) target(%dma_start3A_187 : memref<244x64xf32, #tpu.memory_space<vmem>>) target_semaphore(%arg14 : memref<!tpu.dma_semaphore, #tpu.memory_space<semaphore_mem>>)
      %dma_start3A_192 = arith.constant 0 : i32
      %dma_start3A_193 = arith.constant 0 : i32
      %dma_start3A_194 = tpu.memref_slice %arg11[%dma_start3A_192, %dma_start3A_193] : memref<256x64xf32, #tpu.memory_space<vmem>> -> memref<244x64xf32, #tpu.memory_space<vmem>>
      %dma_start3A_195 = arith.constant 256 : i32
      %dma_start3A_196 = arith.constant 0 : i32
      %dma_start3A_197 = tpu.memref_slice %arg5[%arg1, %dma_start3A_195, %dma_start3A_196] : memref<16x500x64xf32, #tpu.memory_space<hbm>> -> memref<1x244x64xf32, #tpu.memory_space<hbm>>
      %dma_start3A_198 = tpu.memref_squeeze %dma_start3A_197 : memref<1x244x64xf32, #tpu.memory_space<hbm>> -> memref<244x64xf32, #tpu.memory_space<hbm>>
      %dma_start3A_199 = arith.constant 0 : i32
      %dma_start3A_200 = arith.constant 0 : i32
      %dma_start3A_201 = tpu.memref_slice %arg11[%dma_start3A_199, %dma_start3A_200] : memref<256x64xf32, #tpu.memory_space<vmem>> -> memref<244x64xf32, #tpu.memory_space<vmem>>
      %dma_start3A_202 = arith.constant 256 : i32
      %dma_start3A_203 = arith.constant 0 : i32
      %dma_start3A_204 = tpu.memref_slice %arg5[%arg1, %dma_start3A_202, %dma_start3A_203] : memref<16x500x64xf32, #tpu.memory_space<hbm>> -> memref<1x244x64xf32, #tpu.memory_space<hbm>>
      %dma_start3A_205 = tpu.memref_squeeze %dma_start3A_204 : memref<1x244x64xf32, #tpu.memory_space<hbm>> -> memref<244x64xf32, #tpu.memory_space<hbm>>
      tpu.enqueue_dma source(%dma_start3A_205 : memref<244x64xf32, #tpu.memory_space<hbm>>) target(%dma_start3A_201 : memref<244x64xf32, #tpu.memory_space<vmem>>) target_semaphore(%arg15 : memref<!tpu.dma_semaphore, #tpu.memory_space<semaphore_mem>>)
    } else {
    }
    %iota3A = tpu.iota {dimensions = array<i32: 0>} : vector<16xi32>
    %mul3A_10 = arith.constant 16384 : i32
    %mul3A_11 = vector.broadcast %mul3A_10 : i32 to vector<16xi32>
    %mul3A_12 = arith.muli %iota3A, %mul3A_11 : vector<16xi32>
    %add3A_13 = arith.constant 0 : i32
    %add3A_14 = vector.broadcast %add3A_13 : i32 to vector<16xi32>
    %add3A_15 = arith.addi %mul3A_12, %add3A_14 : vector<16xi32>
    %mul3A_16 = arith.constant 16384 : i32
    %mul3A_17 = vector.broadcast %mul3A_16 : i32 to vector<16xi32>
    %mul3A_18 = arith.muli %iota3A, %mul3A_17 : vector<16xi32>
    %add3A_19 = arith.constant 262144 : i32
    %add3A_20 = vector.broadcast %add3A_19 : i32 to vector<16xi32>
    %add3A_21 = arith.addi %mul3A_18, %add3A_20 : vector<16xi32>
    %mul3A_22 = arith.constant 16384 : i32
    %mul3A_23 = vector.broadcast %mul3A_22 : i32 to vector<16xi32>
    %mul3A_24 = arith.muli %iota3A, %mul3A_23 : vector<16xi32>
    %add3A_25 = arith.constant 524288 : i32
    %add3A_26 = vector.broadcast %add3A_25 : i32 to vector<16xi32>
    %add3A_27 = arith.addi %mul3A_24, %add3A_26 : vector<16xi32>
    %mul3A_28 = arith.constant 16384 : i32
    %mul3A_29 = vector.broadcast %mul3A_28 : i32 to vector<16xi32>
    %mul3A_30 = arith.muli %iota3A, %mul3A_29 : vector<16xi32>
    %add3A_31 = arith.constant 786432 : i32
    %add3A_32 = vector.broadcast %add3A_31 : i32 to vector<16xi32>
    %add3A_33 = arith.addi %mul3A_30, %add3A_32 : vector<16xi32>
    %scan3A = arith.constant 0 : i32
    %scan3A_34 = arith.constant 0 : i32
    %scan3A_35 = arith.constant 64 : i32
    %scan3A_36 = arith.addi %scan3A_34, %scan3A_35 : i32
    %scan3A_37 = arith.constant 1 : i32
    %scan3A_38 = scf.for %scan3A_178 = %scan3A_34 to %scan3A_36 step %scan3A_37 iter_args(%scan3A_179 = %scan3A) -> (i32)  : i32 {
      %jit3A_180 = arith.constant 16 : i32
      %div3A = arith.divsi %scan3A_178, %jit3A_180 : i32
      %sign3A = arith.constant 0 : i32
      %sign3A_181 = arith.cmpi sgt, %scan3A_178, %sign3A : i32
      %sign3A_182 = arith.extui %sign3A_181 : i1 to i32
      %sign3A_183 = arith.constant 0 : i32
      %sign3A_184 = arith.cmpi slt, %scan3A_178, %sign3A_183 : i32
      %sign3A_185 = arith.extui %sign3A_184 : i1 to i32
      %sign3A_186 = arith.subi %sign3A_182, %sign3A_185 : i32
      %sign3A_187 = arith.constant 0 : i32
      %sign3A_188 = arith.cmpi sgt, %jit3A_180, %sign3A_187 : i32
      %sign3A_189 = arith.extui %sign3A_188 : i1 to i32
      %sign3A_190 = arith.constant 0 : i32
      %sign3A_191 = arith.cmpi slt, %jit3A_180, %sign3A_190 : i32
      %sign3A_192 = arith.extui %sign3A_191 : i1 to i32
      %sign3A_193 = arith.subi %sign3A_189, %sign3A_192 : i32
      %ne3A = arith.cmpi ne, %sign3A_186, %sign3A_193 : i32
      %rem3A = arith.remsi %scan3A_178, %jit3A_180 : i32
      %ne3A_194 = arith.constant 0 : i32
      %ne3A_195 = arith.cmpi ne, %rem3A, %ne3A_194 : i32
      %and3A = arith.andi %ne3A, %ne3A_195 : i1
      %sub3A = arith.constant 1 : i32
      %sub3A_196 = arith.subi %div3A, %sub3A : i32
      %select_n3A_197 = arith.select %and3A, %sub3A_196, %div3A : i32
      %mul3A_198 = arith.constant 16 : i32
      %mul3A_199 = arith.muli %select_n3A_197, %mul3A_198 : i32
      %get3A = arith.index_cast %mul3A_199 : i32 to index
      %get3A_200 = tpu.vector_load %arg7[%get3A] {strides = array<i32>} : memref<256xi32, #tpu.memory_space<vmem>>, vector<16xi32>,
      %get3A_201 = vector.shape_cast %get3A_200 : vector<16xi32> to vector<16xi32>
      %add3A_202 = vector.broadcast %mul3A_2 : i32 to vector<16xi32>
      %add3A_203 = arith.addi %get3A_201, %add3A_202 : vector<16xi32>
      %mul3A_204 = arith.constant 0 : i32
      %mul3A_205 = vector.broadcast %mul3A_204 : i32 to vector<16xi32>
      %mul3A_206 = arith.muli %iota3A, %mul3A_205 : vector<16xi32>
      %sub3A_207 = arith.subi %scan3A_178, %mul3A_199 : i32
      %add3A_208 = vector.broadcast %sub3A_207 : i32 to vector<16xi32>
      %add3A_209 = arith.addi %mul3A_206, %add3A_208 : vector<16xi32>
      %lt3A = arith.constant 0 : i32
      %lt3A_210 = vector.broadcast %lt3A : i32 to vector<16xi32>
      %lt3A_211 = arith.cmpi slt, %add3A_209, %lt3A_210 : vector<16xi32>
      %add3A_212 = arith.constant 16 : i32
      %add3A_213 = vector.broadcast %add3A_212 : i32 to vector<16xi32>
      %add3A_214 = arith.addi %add3A_209, %add3A_213 : vector<16xi32>
      %select_n3A_215 = arith.select %lt3A_211, %add3A_214, %add3A_209 : vector<16xi1>, vector<16xi32>
      %broadcast_in_dim3A_216 = vector.shape_cast %select_n3A_215 : vector<16xi32> to vector<16x1xi32>
      %gather3A = vector.shape_cast %broadcast_in_dim3A_216 : vector<16x1xi32> to vector<16xi32>
      %gather3A_217 = tpu.dynamic_gather %add3A_203[%gather3A] in [0] : vector<16xi32>, vector<16xi32> -> vector<16xi32>
      %add3A_218 = arith.addi %gather3A_217, %add3A_15 : vector<16xi32>
      %mul3A_219 = arith.constant 64 : i32
      %mul3A_220 = arith.muli %scan3A_178, %mul3A_219 : i32
      %add3A_221 = arith.constant 0 : i32
      %add3A_222 = arith.addi %mul3A_220, %add3A_221 : i32
      %swap3A_223 = arith.index_cast %add3A_222 : i32 to index
      %swap3A_224 = tpu.vector_load %arg8[%swap3A_223] {strides = array<i32>} : memref<16384xi32, #tpu.memory_space<vmem>>, vector<16xi32>,
      %swap3A_225 = vector.shape_cast %swap3A_224 : vector<16xi32> to vector<16xi32>
      %swap3A_226 = vector.shape_cast %add3A_218 : vector<16xi32> to vector<16xi32>
      tpu.vector_store %arg8[%swap3A_223], %swap3A_226 {strides = array<i32>} : memref<16384xi32, #tpu.memory_space<vmem>>, vector<16xi32>,
      %add3A_227 = arith.addi %gather3A_217, %add3A_21 : vector<16xi32>
      %mul3A_228 = arith.constant 64 : i32
      %mul3A_229 = arith.muli %scan3A_178, %mul3A_228 : i32
      %add3A_230 = arith.constant 16 : i32
      %add3A_231 = arith.addi %mul3A_229, %add3A_230 : i32
      %swap3A_232 = arith.index_cast %add3A_231 : i32 to index
      %swap3A_233 = tpu.vector_load %arg8[%swap3A_232] {strides = array<i32>} : memref<16384xi32, #tpu.memory_space<vmem>>, vector<16xi32>,
      %swap3A_234 = vector.shape_cast %swap3A_233 : vector<16xi32> to vector<16xi32>
      %swap3A_235 = vector.shape_cast %add3A_227 : vector<16xi32> to vector<16xi32>
      tpu.vector_store %arg8[%swap3A_232], %swap3A_235 {strides = array<i32>} : memref<16384xi32, #tpu.memory_space<vmem>>, vector<16xi32>,
      %add3A_236 = arith.addi %gather3A_217, %add3A_27 : vector<16xi32>
      %mul3A_237 = arith.constant 64 : i32
      %mul3A_238 = arith.muli %scan3A_178, %mul3A_237 : i32
      %add3A_239 = arith.constant 32 : i32
      %add3A_240 = arith.addi %mul3A_238, %add3A_239 : i32
      %swap3A_241 = arith.index_cast %add3A_240 : i32 to index
      %swap3A_242 = tpu.vector_load %arg8[%swap3A_241] {strides = array<i32>} : memref<16384xi32, #tpu.memory_space<vmem>>, vector<16xi32>,
      %swap3A_243 = vector.shape_cast %swap3A_242 : vector<16xi32> to vector<16xi32>
      %swap3A_244 = vector.shape_cast %add3A_236 : vector<16xi32> to vector<16xi32>
      tpu.vector_store %arg8[%swap3A_241], %swap3A_244 {strides = array<i32>} : memref<16384xi32, #tpu.memory_space<vmem>>, vector<16xi32>,
      %add3A_245 = arith.addi %gather3A_217, %add3A_33 : vector<16xi32>
      %mul3A_246 = arith.constant 64 : i32
      %mul3A_247 = arith.muli %scan3A_178, %mul3A_246 : i32
      %add3A_248 = arith.constant 48 : i32
      %add3A_249 = arith.addi %mul3A_247, %add3A_248 : i32
      %swap3A_250 = arith.index_cast %add3A_249 : i32 to index
      %swap3A_251 = tpu.vector_load %arg8[%swap3A_250] {strides = array<i32>} : memref<16384xi32, #tpu.memory_space<vmem>>, vector<16xi32>,
      %swap3A_252 = vector.shape_cast %swap3A_251 : vector<16xi32> to vector<16xi32>
      %swap3A_253 = vector.shape_cast %add3A_245 : vector<16xi32> to vector<16xi32>
      tpu.vector_store %arg8[%swap3A_250], %swap3A_253 {strides = array<i32>} : memref<16384xi32, #tpu.memory_space<vmem>>, vector<16xi32>,
      %scan3A_254 = arith.constant 0 : i32
      scf.yield %scan3A_254 : i32
    }
    %scan3A_39 = arith.constant 64 : i32
    %dma_start3A = arith.constant 0 : i32
    %dma_start3A_40 = tpu.memref_slice %arg9[%dma_start3A] : memref<16384xf32, #tpu.memory_space<vmem>> -> memref<4096xf32, #tpu.memory_space<vmem>>
    %dma_start3A_41 = arith.constant 0 : i32
    %dma_start3A_42 = tpu.memref_slice %arg8[%dma_start3A_41] : memref<16384xi32, #tpu.memory_space<vmem>> -> memref<4096xi32, #tpu.memory_space<vmem>>
    %dma_start3A_43 = arith.constant 0 : i32
    %dma_start3A_44 = tpu.memref_slice %arg2[%dma_start3A_43] : memref<16777216xf32, #tpu.memory_space<hbm>> -> memref<16777216xf32, #tpu.memory_space<hbm>>
    tpu.enqueue_indirect_dma source(%dma_start3A_44 : memref<16777216xf32, #tpu.memory_space<hbm>>) target(%dma_start3A_40 : memref<4096xf32, #tpu.memory_space<vmem>>) offsets(%dma_start3A_42 : memref<4096xi32, #tpu.memory_space<vmem>>) semaphore(%arg13 : memref<!tpu.dma_semaphore, #tpu.memory_space<semaphore_mem>>)
    %scan3A_45 = arith.constant 0 : i32
    %scan3A_46 = arith.constant 64 : i32
    %scan3A_47 = arith.constant 64 : i32
    %scan3A_48 = arith.addi %scan3A_46, %scan3A_47 : i32
    %scan3A_49 = arith.constant 1 : i32
    %scan3A_50 = scf.for %scan3A_178 = %scan3A_46 to %scan3A_48 step %scan3A_49 iter_args(%scan3A_179 = %scan3A_45) -> (i32)  : i32 {
      %jit3A_180 = arith.constant 16 : i32
      %div3A = arith.divsi %scan3A_178, %jit3A_180 : i32
      %sign3A = arith.constant 0 : i32
      %sign3A_181 = arith.cmpi sgt, %scan3A_178, %sign3A : i32
      %sign3A_182 = arith.extui %sign3A_181 : i1 to i32
      %sign3A_183 = arith.constant 0 : i32
      %sign3A_184 = arith.cmpi slt, %scan3A_178, %sign3A_183 : i32
      %sign3A_185 = arith.extui %sign3A_184 : i1 to i32
      %sign3A_186 = arith.subi %sign3A_182, %sign3A_185 : i32
      %sign3A_187 = arith.constant 0 : i32
      %sign3A_188 = arith.cmpi sgt, %jit3A_180, %sign3A_187 : i32
      %sign3A_189 = arith.extui %sign3A_188 : i1 to i32
      %sign3A_190 = arith.constant 0 : i32
      %sign3A_191 = arith.cmpi slt, %jit3A_180, %sign3A_190 : i32
      %sign3A_192 = arith.extui %sign3A_191 : i1 to i32
      %sign3A_193 = arith.subi %sign3A_189, %sign3A_192 : i32
      %ne3A = arith.cmpi ne, %sign3A_186, %sign3A_193 : i32
      %rem3A = arith.remsi %scan3A_178, %jit3A_180 : i32
      %ne3A_194 = arith.constant 0 : i32
      %ne3A_195 = arith.cmpi ne, %rem3A, %ne3A_194 : i32
      %and3A = arith.andi %ne3A, %ne3A_195 : i1
      %sub3A = arith.constant 1 : i32
      %sub3A_196 = arith.subi %div3A, %sub3A : i32
      %select_n3A_197 = arith.select %and3A, %sub3A_196, %div3A : i32
      %mul3A_198 = arith.constant 16 : i32
      %mul3A_199 = arith.muli %select_n3A_197, %mul3A_198 : i32
      %get3A = arith.index_cast %mul3A_199 : i32 to index
      %get3A_200 = tpu.vector_load %arg7[%get3A] {strides = array<i32>} : memref<256xi32, #tpu.memory_space<vmem>>, vector<16xi32>,
      %get3A_201 = vector.shape_cast %get3A_200 : vector<16xi32> to vector<16xi32>
      %add3A_202 = vector.broadcast %mul3A_2 : i32 to vector<16xi32>
      %add3A_203 = arith.addi %get3A_201, %add3A_202 : vector<16xi32>
      %mul3A_204 = arith.constant 0 : i32
      %mul3A_205 = vector.broadcast %mul3A_204 : i32 to vector<16xi32>
      %mul3A_206 = arith.muli %iota3A, %mul3A_205 : vector<16xi32>
      %sub3A_207 = arith.subi %scan3A_178, %mul3A_199 : i32
      %add3A_208 = vector.broadcast %sub3A_207 : i32 to vector<16xi32>
      %add3A_209 = arith.addi %mul3A_206, %add3A_208 : vector<16xi32>
      %lt3A = arith.constant 0 : i32
      %lt3A_210 = vector.broadcast %lt3A : i32 to vector<16xi32>
      %lt3A_211 = arith.cmpi slt, %add3A_209, %lt3A_210 : vector<16xi32>
      %add3A_212 = arith.constant 16 : i32
      %add3A_213 = vector.broadcast %add3A_212 : i32 to vector<16xi32>
      %add3A_214 = arith.addi %add3A_209, %add3A_213 : vector<16xi32>
      %select_n3A_215 = arith.select %lt3A_211, %add3A_214, %add3A_209 : vector<16xi1>, vector<16xi32>
      %broadcast_in_dim3A_216 = vector.shape_cast %select_n3A_215 : vector<16xi32> to vector<16x1xi32>
      %gather3A = vector.shape_cast %broadcast_in_dim3A_216 : vector<16x1xi32> to vector<16xi32>
      %gather3A_217 = tpu.dynamic_gather %add3A_203[%gather3A] in [0] : vector<16xi32>, vector<16xi32> -> vector<16xi32>
      %add3A_218 = arith.addi %gather3A_217, %add3A_15 : vector<16xi32>
      %mul3A_219 = arith.constant 64 : i32
      %mul3A_220 = arith.muli %scan3A_178, %mul3A_219 : i32
      %add3A_221 = arith.constant 0 : i32
      %add3A_222 = arith.addi %mul3A_220, %add3A_221 : i32
      %swap3A_223 = arith.index_cast %add3A_222 : i32 to index
      %swap3A_224 = tpu.vector_load %arg8[%swap3A_223] {strides = array<i32>} : memref<16384xi32, #tpu.memory_space<vmem>>, vector<16xi32>,
      %swap3A_225 = vector.shape_cast %swap3A_224 : vector<16xi32> to vector<16xi32>
      %swap3A_226 = vector.shape_cast %add3A_218 : vector<16xi32> to vector<16xi32>
      tpu.vector_store %arg8[%swap3A_223], %swap3A_226 {strides = array<i32>} : memref<16384xi32, #tpu.memory_space<vmem>>, vector<16xi32>,
      %add3A_227 = arith.addi %gather3A_217, %add3A_21 : vector<16xi32>
      %mul3A_228 = arith.constant 64 : i32
      %mul3A_229 = arith.muli %scan3A_178, %mul3A_228 : i32
      %add3A_230 = arith.constant 16 : i32
      %add3A_231 = arith.addi %mul3A_229, %add3A_230 : i32
      %swap3A_232 = arith.index_cast %add3A_231 : i32 to index
      %swap3A_233 = tpu.vector_load %arg8[%swap3A_232] {strides = array<i32>} : memref<16384xi32, #tpu.memory_space<vmem>>, vector<16xi32>,
      %swap3A_234 = vector.shape_cast %swap3A_233 : vector<16xi32> to vector<16xi32>
      %swap3A_235 = vector.shape_cast %add3A_227 : vector<16xi32> to vector<16xi32>
      tpu.vector_store %arg8[%swap3A_232], %swap3A_235 {strides = array<i32>} : memref<16384xi32, #tpu.memory_space<vmem>>, vector<16xi32>,
      %add3A_236 = arith.addi %gather3A_217, %add3A_27 : vector<16xi32>
      %mul3A_237 = arith.constant 64 : i32
      %mul3A_238 = arith.muli %scan3A_178, %mul3A_237 : i32
      %add3A_239 = arith.constant 32 : i32
      %add3A_240 = arith.addi %mul3A_238, %add3A_239 : i32
      %swap3A_241 = arith.index_cast %add3A_240 : i32 to index
      %swap3A_242 = tpu.vector_load %arg8[%swap3A_241] {strides = array<i32>} : memref<16384xi32, #tpu.memory_space<vmem>>, vector<16xi32>,
      %swap3A_243 = vector.shape_cast %swap3A_242 : vector<16xi32> to vector<16xi32>
      %swap3A_244 = vector.shape_cast %add3A_236 : vector<16xi32> to vector<16xi32>
      tpu.vector_store %arg8[%swap3A_241], %swap3A_244 {strides = array<i32>} : memref<16384xi32, #tpu.memory_space<vmem>>, vector<16xi32>,
      %add3A_245 = arith.addi %gather3A_217, %add3A_33 : vector<16xi32>
      %mul3A_246 = arith.constant 64 : i32
      %mul3A_247 = arith.muli %scan3A_178, %mul3A_246 : i32
      %add3A_248 = arith.constant 48 : i32
      %add3A_249 = arith.addi %mul3A_247, %add3A_248 : i32
      %swap3A_250 = arith.index_cast %add3A_249 : i32 to index
      %swap3A_251 = tpu.vector_load %arg8[%swap3A_250] {strides = array<i32>} : memref<16384xi32, #tpu.memory_space<vmem>>, vector<16xi32>,
      %swap3A_252 = vector.shape_cast %swap3A_251 : vector<16xi32> to vector<16xi32>
      %swap3A_253 = vector.shape_cast %add3A_245 : vector<16xi32> to vector<16xi32>
      tpu.vector_store %arg8[%swap3A_250], %swap3A_253 {strides = array<i32>} : memref<16384xi32, #tpu.memory_space<vmem>>, vector<16xi32>,
      %scan3A_254 = arith.constant 0 : i32
      scf.yield %scan3A_254 : i32
    }
    %scan3A_51 = arith.constant 64 : i32
    %dma_start3A_52 = arith.constant 4096 : i32
    %dma_start3A_53 = tpu.memref_slice %arg9[%dma_start3A_52] : memref<16384xf32, #tpu.memory_space<vmem>> -> memref<4096xf32, #tpu.memory_space<vmem>>
    %dma_start3A_54 = arith.constant 4096 : i32
    %dma_start3A_55 = tpu.memref_slice %arg8[%dma_start3A_54] : memref<16384xi32, #tpu.memory_space<vmem>> -> memref<4096xi32, #tpu.memory_space<vmem>>
    %dma_start3A_56 = arith.constant 0 : i32
    %dma_start3A_57 = tpu.memref_slice %arg2[%dma_start3A_56] : memref<16777216xf32, #tpu.memory_space<hbm>> -> memref<16777216xf32, #tpu.memory_space<hbm>>
    tpu.enqueue_indirect_dma source(%dma_start3A_57 : memref<16777216xf32, #tpu.memory_space<hbm>>) target(%dma_start3A_53 : memref<4096xf32, #tpu.memory_space<vmem>>) offsets(%dma_start3A_55 : memref<4096xi32, #tpu.memory_space<vmem>>) semaphore(%arg13 : memref<!tpu.dma_semaphore, #tpu.memory_space<semaphore_mem>>)
    %scan3A_58 = arith.constant 0 : i32
    %scan3A_59 = arith.constant 128 : i32
    %scan3A_60 = arith.constant 64 : i32
    %scan3A_61 = arith.addi %scan3A_59, %scan3A_60 : i32
    %scan3A_62 = arith.constant 1 : i32
    %scan3A_63 = scf.for %scan3A_178 = %scan3A_59 to %scan3A_61 step %scan3A_62 iter_args(%scan3A_179 = %scan3A_58) -> (i32)  : i32 {
      %jit3A_180 = arith.constant 16 : i32
      %div3A = arith.divsi %scan3A_178, %jit3A_180 : i32
      %sign3A = arith.constant 0 : i32
      %sign3A_181 = arith.cmpi sgt, %scan3A_178, %sign3A : i32
      %sign3A_182 = arith.extui %sign3A_181 : i1 to i32
      %sign3A_183 = arith.constant 0 : i32
      %sign3A_184 = arith.cmpi slt, %scan3A_178, %sign3A_183 : i32
      %sign3A_185 = arith.extui %sign3A_184 : i1 to i32
      %sign3A_186 = arith.subi %sign3A_182, %sign3A_185 : i32
      %sign3A_187 = arith.constant 0 : i32
      %sign3A_188 = arith.cmpi sgt, %jit3A_180, %sign3A_187 : i32
      %sign3A_189 = arith.extui %sign3A_188 : i1 to i32
      %sign3A_190 = arith.constant 0 : i32
      %sign3A_191 = arith.cmpi slt, %jit3A_180, %sign3A_190 : i32
      %sign3A_192 = arith.extui %sign3A_191 : i1 to i32
      %sign3A_193 = arith.subi %sign3A_189, %sign3A_192 : i32
      %ne3A = arith.cmpi ne, %sign3A_186, %sign3A_193 : i32
      %rem3A = arith.remsi %scan3A_178, %jit3A_180 : i32
      %ne3A_194 = arith.constant 0 : i32
      %ne3A_195 = arith.cmpi ne, %rem3A, %ne3A_194 : i32
      %and3A = arith.andi %ne3A, %ne3A_195 : i1
      %sub3A = arith.constant 1 : i32
      %sub3A_196 = arith.subi %div3A, %sub3A : i32
      %select_n3A_197 = arith.select %and3A, %sub3A_196, %div3A : i32
      %mul3A_198 = arith.constant 16 : i32
      %mul3A_199 = arith.muli %select_n3A_197, %mul3A_198 : i32
      %get3A = arith.index_cast %mul3A_199 : i32 to index
      %get3A_200 = tpu.vector_load %arg7[%get3A] {strides = array<i32>} : memref<256xi32, #tpu.memory_space<vmem>>, vector<16xi32>,
      %get3A_201 = vector.shape_cast %get3A_200 : vector<16xi32> to vector<16xi32>
      %add3A_202 = vector.broadcast %mul3A_2 : i32 to vector<16xi32>
      %add3A_203 = arith.addi %get3A_201, %add3A_202 : vector<16xi32>
      %mul3A_204 = arith.constant 0 : i32
      %mul3A_205 = vector.broadcast %mul3A_204 : i32 to vector<16xi32>
      %mul3A_206 = arith.muli %iota3A, %mul3A_205 : vector<16xi32>
      %sub3A_207 = arith.subi %scan3A_178, %mul3A_199 : i32
      %add3A_208 = vector.broadcast %sub3A_207 : i32 to vector<16xi32>
      %add3A_209 = arith.addi %mul3A_206, %add3A_208 : vector<16xi32>
      %lt3A = arith.constant 0 : i32
      %lt3A_210 = vector.broadcast %lt3A : i32 to vector<16xi32>
      %lt3A_211 = arith.cmpi slt, %add3A_209, %lt3A_210 : vector<16xi32>
      %add3A_212 = arith.constant 16 : i32
      %add3A_213 = vector.broadcast %add3A_212 : i32 to vector<16xi32>
      %add3A_214 = arith.addi %add3A_209, %add3A_213 : vector<16xi32>
      %select_n3A_215 = arith.select %lt3A_211, %add3A_214, %add3A_209 : vector<16xi1>, vector<16xi32>
      %broadcast_in_dim3A_216 = vector.shape_cast %select_n3A_215 : vector<16xi32> to vector<16x1xi32>
      %gather3A = vector.shape_cast %broadcast_in_dim3A_216 : vector<16x1xi32> to vector<16xi32>
      %gather3A_217 = tpu.dynamic_gather %add3A_203[%gather3A] in [0] : vector<16xi32>, vector<16xi32> -> vector<16xi32>
      %add3A_218 = arith.addi %gather3A_217, %add3A_15 : vector<16xi32>
      %mul3A_219 = arith.constant 64 : i32
      %mul3A_220 = arith.muli %scan3A_178, %mul3A_219 : i32
      %add3A_221 = arith.constant 0 : i32
      %add3A_222 = arith.addi %mul3A_220, %add3A_221 : i32
      %swap3A_223 = arith.index_cast %add3A_222 : i32 to index
      %swap3A_224 = tpu.vector_load %arg8[%swap3A_223] {strides = array<i32>} : memref<16384xi32, #tpu.memory_space<vmem>>, vector<16xi32>,
      %swap3A_225 = vector.shape_cast %swap3A_224 : vector<16xi32> to vector<16xi32>
      %swap3A_226 = vector.shape_cast %add3A_218 : vector<16xi32> to vector<16xi32>
      tpu.vector_store %arg8[%swap3A_223], %swap3A_226 {strides = array<i32>} : memref<16384xi32, #tpu.memory_space<vmem>>, vector<16xi32>,
      %add3A_227 = arith.addi %gather3A_217, %add3A_21 : vector<16xi32>
      %mul3A_228 = arith.constant 64 : i32
      %mul3A_229 = arith.muli %scan3A_178, %mul3A_228 : i32
      %add3A_230 = arith.constant 16 : i32
      %add3A_231 = arith.addi %mul3A_229, %add3A_230 : i32
      %swap3A_232 = arith.index_cast %add3A_231 : i32 to index
      %swap3A_233 = tpu.vector_load %arg8[%swap3A_232] {strides = array<i32>} : memref<16384xi32, #tpu.memory_space<vmem>>, vector<16xi32>,
      %swap3A_234 = vector.shape_cast %swap3A_233 : vector<16xi32> to vector<16xi32>
      %swap3A_235 = vector.shape_cast %add3A_227 : vector<16xi32> to vector<16xi32>
      tpu.vector_store %arg8[%swap3A_232], %swap3A_235 {strides = array<i32>} : memref<16384xi32, #tpu.memory_space<vmem>>, vector<16xi32>,
      %add3A_236 = arith.addi %gather3A_217, %add3A_27 : vector<16xi32>
      %mul3A_237 = arith.constant 64 : i32
      %mul3A_238 = arith.muli %scan3A_178, %mul3A_237 : i32
      %add3A_239 = arith.constant 32 : i32
      %add3A_240 = arith.addi %mul3A_238, %add3A_239 : i32
      %swap3A_241 = arith.index_cast %add3A_240 : i32 to index
      %swap3A_242 = tpu.vector_load %arg8[%swap3A_241] {strides = array<i32>} : memref<16384xi32, #tpu.memory_space<vmem>>, vector<16xi32>,
      %swap3A_243 = vector.shape_cast %swap3A_242 : vector<16xi32> to vector<16xi32>
      %swap3A_244 = vector.shape_cast %add3A_236 : vector<16xi32> to vector<16xi32>
      tpu.vector_store %arg8[%swap3A_241], %swap3A_244 {strides = array<i32>} : memref<16384xi32, #tpu.memory_space<vmem>>, vector<16xi32>,
      %add3A_245 = arith.addi %gather3A_217, %add3A_33 : vector<16xi32>
      %mul3A_246 = arith.constant 64 : i32
      %mul3A_247 = arith.muli %scan3A_178, %mul3A_246 : i32
      %add3A_248 = arith.constant 48 : i32
      %add3A_249 = arith.addi %mul3A_247, %add3A_248 : i32
      %swap3A_250 = arith.index_cast %add3A_249 : i32 to index
      %swap3A_251 = tpu.vector_load %arg8[%swap3A_250] {strides = array<i32>} : memref<16384xi32, #tpu.memory_space<vmem>>, vector<16xi32>,
      %swap3A_252 = vector.shape_cast %swap3A_251 : vector<16xi32> to vector<16xi32>
      %swap3A_253 = vector.shape_cast %add3A_245 : vector<16xi32> to vector<16xi32>
      tpu.vector_store %arg8[%swap3A_250], %swap3A_253 {strides = array<i32>} : memref<16384xi32, #tpu.memory_space<vmem>>, vector<16xi32>,
      %scan3A_254 = arith.constant 0 : i32
      scf.yield %scan3A_254 : i32
    }
    %scan3A_64 = arith.constant 64 : i32
    %dma_start3A_65 = arith.constant 8192 : i32
    %dma_start3A_66 = tpu.memref_slice %arg9[%dma_start3A_65] : memref<16384xf32, #tpu.memory_space<vmem>> -> memref<4096xf32, #tpu.memory_space<vmem>>
    %dma_start3A_67 = arith.constant 8192 : i32
    %dma_start3A_68 = tpu.memref_slice %arg8[%dma_start3A_67] : memref<16384xi32, #tpu.memory_space<vmem>> -> memref<4096xi32, #tpu.memory_space<vmem>>
    %dma_start3A_69 = arith.constant 0 : i32
    %dma_start3A_70 = tpu.memref_slice %arg2[%dma_start3A_69] : memref<16777216xf32, #tpu.memory_space<hbm>> -> memref<16777216xf32, #tpu.memory_space<hbm>>
    tpu.enqueue_indirect_dma source(%dma_start3A_70 : memref<16777216xf32, #tpu.memory_space<hbm>>) target(%dma_start3A_66 : memref<4096xf32, #tpu.memory_space<vmem>>) offsets(%dma_start3A_68 : memref<4096xi32, #tpu.memory_space<vmem>>) semaphore(%arg13 : memref<!tpu.dma_semaphore, #tpu.memory_space<semaphore_mem>>)
    %scan3A_71 = arith.constant 0 : i32
    %scan3A_72 = arith.constant 192 : i32
    %scan3A_73 = arith.constant 64 : i32
    %scan3A_74 = arith.addi %scan3A_72, %scan3A_73 : i32
    %scan3A_75 = arith.constant 1 : i32
    %scan3A_76 = scf.for %scan3A_178 = %scan3A_72 to %scan3A_74 step %scan3A_75 iter_args(%scan3A_179 = %scan3A_71) -> (i32)  : i32 {
      %jit3A_180 = arith.constant 16 : i32
      %div3A = arith.divsi %scan3A_178, %jit3A_180 : i32
      %sign3A = arith.constant 0 : i32
      %sign3A_181 = arith.cmpi sgt, %scan3A_178, %sign3A : i32
      %sign3A_182 = arith.extui %sign3A_181 : i1 to i32
      %sign3A_183 = arith.constant 0 : i32
      %sign3A_184 = arith.cmpi slt, %scan3A_178, %sign3A_183 : i32
      %sign3A_185 = arith.extui %sign3A_184 : i1 to i32
      %sign3A_186 = arith.subi %sign3A_182, %sign3A_185 : i32
      %sign3A_187 = arith.constant 0 : i32
      %sign3A_188 = arith.cmpi sgt, %jit3A_180, %sign3A_187 : i32
      %sign3A_189 = arith.extui %sign3A_188 : i1 to i32
      %sign3A_190 = arith.constant 0 : i32
      %sign3A_191 = arith.cmpi slt, %jit3A_180, %sign3A_190 : i32
      %sign3A_192 = arith.extui %sign3A_191 : i1 to i32
      %sign3A_193 = arith.subi %sign3A_189, %sign3A_192 : i32
      %ne3A = arith.cmpi ne, %sign3A_186, %sign3A_193 : i32
      %rem3A = arith.remsi %scan3A_178, %jit3A_180 : i32
      %ne3A_194 = arith.constant 0 : i32
      %ne3A_195 = arith.cmpi ne, %rem3A, %ne3A_194 : i32
      %and3A = arith.andi %ne3A, %ne3A_195 : i1
      %sub3A = arith.constant 1 : i32
      %sub3A_196 = arith.subi %div3A, %sub3A : i32
      %select_n3A_197 = arith.select %and3A, %sub3A_196, %div3A : i32
      %mul3A_198 = arith.constant 16 : i32
      %mul3A_199 = arith.muli %select_n3A_197, %mul3A_198 : i32
      %get3A = arith.index_cast %mul3A_199 : i32 to index
      %get3A_200 = tpu.vector_load %arg7[%get3A] {strides = array<i32>} : memref<256xi32, #tpu.memory_space<vmem>>, vector<16xi32>,
      %get3A_201 = vector.shape_cast %get3A_200 : vector<16xi32> to vector<16xi32>
      %add3A_202 = vector.broadcast %mul3A_2 : i32 to vector<16xi32>
      %add3A_203 = arith.addi %get3A_201, %add3A_202 : vector<16xi32>
      %mul3A_204 = arith.constant 0 : i32
      %mul3A_205 = vector.broadcast %mul3A_204 : i32 to vector<16xi32>
      %mul3A_206 = arith.muli %iota3A, %mul3A_205 : vector<16xi32>
      %sub3A_207 = arith.subi %scan3A_178, %mul3A_199 : i32
      %add3A_208 = vector.broadcast %sub3A_207 : i32 to vector<16xi32>
      %add3A_209 = arith.addi %mul3A_206, %add3A_208 : vector<16xi32>
      %lt3A = arith.constant 0 : i32
      %lt3A_210 = vector.broadcast %lt3A : i32 to vector<16xi32>
      %lt3A_211 = arith.cmpi slt, %add3A_209, %lt3A_210 : vector<16xi32>
      %add3A_212 = arith.constant 16 : i32
      %add3A_213 = vector.broadcast %add3A_212 : i32 to vector<16xi32>
      %add3A_214 = arith.addi %add3A_209, %add3A_213 : vector<16xi32>
      %select_n3A_215 = arith.select %lt3A_211, %add3A_214, %add3A_209 : vector<16xi1>, vector<16xi32>
      %broadcast_in_dim3A_216 = vector.shape_cast %select_n3A_215 : vector<16xi32> to vector<16x1xi32>
      %gather3A = vector.shape_cast %broadcast_in_dim3A_216 : vector<16x1xi32> to vector<16xi32>
      %gather3A_217 = tpu.dynamic_gather %add3A_203[%gather3A] in [0] : vector<16xi32>, vector<16xi32> -> vector<16xi32>
      %add3A_218 = arith.addi %gather3A_217, %add3A_15 : vector<16xi32>
      %mul3A_219 = arith.constant 64 : i32
      %mul3A_220 = arith.muli %scan3A_178, %mul3A_219 : i32
      %add3A_221 = arith.constant 0 : i32
      %add3A_222 = arith.addi %mul3A_220, %add3A_221 : i32
      %swap3A_223 = arith.index_cast %add3A_222 : i32 to index
      %swap3A_224 = tpu.vector_load %arg8[%swap3A_223] {strides = array<i32>} : memref<16384xi32, #tpu.memory_space<vmem>>, vector<16xi32>,
      %swap3A_225 = vector.shape_cast %swap3A_224 : vector<16xi32> to vector<16xi32>
      %swap3A_226 = vector.shape_cast %add3A_218 : vector<16xi32> to vector<16xi32>
      tpu.vector_store %arg8[%swap3A_223], %swap3A_226 {strides = array<i32>} : memref<16384xi32, #tpu.memory_space<vmem>>, vector<16xi32>,
      %add3A_227 = arith.addi %gather3A_217, %add3A_21 : vector<16xi32>
      %mul3A_228 = arith.constant 64 : i32
      %mul3A_229 = arith.muli %scan3A_178, %mul3A_228 : i32
      %add3A_230 = arith.constant 16 : i32
      %add3A_231 = arith.addi %mul3A_229, %add3A_230 : i32
      %swap3A_232 = arith.index_cast %add3A_231 : i32 to index
      %swap3A_233 = tpu.vector_load %arg8[%swap3A_232] {strides = array<i32>} : memref<16384xi32, #tpu.memory_space<vmem>>, vector<16xi32>,
      %swap3A_234 = vector.shape_cast %swap3A_233 : vector<16xi32> to vector<16xi32>
      %swap3A_235 = vector.shape_cast %add3A_227 : vector<16xi32> to vector<16xi32>
      tpu.vector_store %arg8[%swap3A_232], %swap3A_235 {strides = array<i32>} : memref<16384xi32, #tpu.memory_space<vmem>>, vector<16xi32>,
      %add3A_236 = arith.addi %gather3A_217, %add3A_27 : vector<16xi32>
      %mul3A_237 = arith.constant 64 : i32
      %mul3A_238 = arith.muli %scan3A_178, %mul3A_237 : i32
      %add3A_239 = arith.constant 32 : i32
      %add3A_240 = arith.addi %mul3A_238, %add3A_239 : i32
      %swap3A_241 = arith.index_cast %add3A_240 : i32 to index
      %swap3A_242 = tpu.vector_load %arg8[%swap3A_241] {strides = array<i32>} : memref<16384xi32, #tpu.memory_space<vmem>>, vector<16xi32>,
      %swap3A_243 = vector.shape_cast %swap3A_242 : vector<16xi32> to vector<16xi32>
      %swap3A_244 = vector.shape_cast %add3A_236 : vector<16xi32> to vector<16xi32>
      tpu.vector_store %arg8[%swap3A_241], %swap3A_244 {strides = array<i32>} : memref<16384xi32, #tpu.memory_space<vmem>>, vector<16xi32>,
      %add3A_245 = arith.addi %gather3A_217, %add3A_33 : vector<16xi32>
      %mul3A_246 = arith.constant 64 : i32
      %mul3A_247 = arith.muli %scan3A_178, %mul3A_246 : i32
      %add3A_248 = arith.constant 48 : i32
      %add3A_249 = arith.addi %mul3A_247, %add3A_248 : i32
      %swap3A_250 = arith.index_cast %add3A_249 : i32 to index
      %swap3A_251 = tpu.vector_load %arg8[%swap3A_250] {strides = array<i32>} : memref<16384xi32, #tpu.memory_space<vmem>>, vector<16xi32>,
      %swap3A_252 = vector.shape_cast %swap3A_251 : vector<16xi32> to vector<16xi32>
      %swap3A_253 = vector.shape_cast %add3A_245 : vector<16xi32> to vector<16xi32>
      tpu.vector_store %arg8[%swap3A_250], %swap3A_253 {strides = array<i32>} : memref<16384xi32, #tpu.memory_space<vmem>>, vector<16xi32>,
      %scan3A_254 = arith.constant 0 : i32
      scf.yield %scan3A_254 : i32
    }
    %scan3A_77 = arith.constant 64 : i32
    %dma_start3A_78 = arith.constant 12288 : i32
    %dma_start3A_79 = tpu.memref_slice %arg9[%dma_start3A_78] : memref<16384xf32, #tpu.memory_space<vmem>> -> memref<4096xf32, #tpu.memory_space<vmem>>
    %dma_start3A_80 = arith.constant 12288 : i32
    %dma_start3A_81 = tpu.memref_slice %arg8[%dma_start3A_80] : memref<16384xi32, #tpu.memory_space<vmem>> -> memref<4096xi32, #tpu.memory_space<vmem>>
    %dma_start3A_82 = arith.constant 0 : i32
    %dma_start3A_83 = tpu.memref_slice %arg2[%dma_start3A_82] : memref<16777216xf32, #tpu.memory_space<hbm>> -> memref<16777216xf32, #tpu.memory_space<hbm>>
    tpu.enqueue_indirect_dma source(%dma_start3A_83 : memref<16777216xf32, #tpu.memory_space<hbm>>) target(%dma_start3A_79 : memref<4096xf32, #tpu.memory_space<vmem>>) offsets(%dma_start3A_81 : memref<4096xi32, #tpu.memory_space<vmem>>) semaphore(%arg13 : memref<!tpu.dma_semaphore, #tpu.memory_space<semaphore_mem>>)
    %eq3A_84 = arith.constant 0 : i32
    %eq3A_85 = arith.cmpi eq, %arg0, %eq3A_84 : i32
    %convert_element_type3A_86 = arith.extui %eq3A_85 : i1 to i32
    %cond3A_87 = arith.constant 0 : i32
    %cond3A_88 = arith.cmpi ne, %convert_element_type3A_86, %cond3A_87 : i32
    scf.if %cond3A_88 {
      %dma_wait3A_178 = arith.constant 0 : i32
      %dma_wait3A_179 = arith.constant 0 : i32
      %dma_wait3A_180 = tpu.memref_slice %arg10[%dma_wait3A_178, %dma_wait3A_179] : memref<256x64xf32, #tpu.memory_space<vmem>> -> memref<256x64xf32, #tpu.memory_space<vmem>>
      %dma_wait3A_181 = arith.constant 0 : i32
      %dma_wait3A_182 = arith.constant 0 : i32
      %dma_wait3A_183 = tpu.memref_slice %arg4[%arg1, %dma_wait3A_181, %dma_wait3A_182] : memref<16x500x64xf32, #tpu.memory_space<hbm>> -> memref<1x256x64xf32, #tpu.memory_space<hbm>>
      %dma_wait3A_184 = tpu.memref_squeeze %dma_wait3A_183 : memref<1x256x64xf32, #tpu.memory_space<hbm>> -> memref<256x64xf32, #tpu.memory_space<hbm>>
      %dma_wait3A_185 = arith.constant 0 : i32
      %dma_wait3A_186 = arith.constant 0 : i32
      %dma_wait3A_187 = tpu.memref_slice %arg10[%dma_wait3A_185, %dma_wait3A_186] : memref<256x64xf32, #tpu.memory_space<vmem>> -> memref<256x64xf32, #tpu.memory_space<vmem>>
      %dma_wait3A_188 = arith.constant 0 : i32
      %dma_wait3A_189 = arith.constant 0 : i32
      %dma_wait3A_190 = tpu.memref_slice %arg4[%arg1, %dma_wait3A_188, %dma_wait3A_189] : memref<16x500x64xf32, #tpu.memory_space<hbm>> -> memref<1x256x64xf32, #tpu.memory_space<hbm>>
      %dma_wait3A_191 = tpu.memref_squeeze %dma_wait3A_190 : memref<1x256x64xf32, #tpu.memory_space<hbm>> -> memref<256x64xf32, #tpu.memory_space<hbm>>
      tpu.wait_dma2 semaphore(%arg14 : memref<!tpu.dma_semaphore, #tpu.memory_space<semaphore_mem>>) src(%dma_wait3A_191 : memref<256x64xf32, #tpu.memory_space<hbm>>) dst(%dma_wait3A_187 : memref<256x64xf32, #tpu.memory_space<vmem>>)
      %dma_wait3A_192 = arith.constant 0 : i32
      %dma_wait3A_193 = arith.constant 0 : i32
      %dma_wait3A_194 = tpu.memref_slice %arg11[%dma_wait3A_192, %dma_wait3A_193] : memref<256x64xf32, #tpu.memory_space<vmem>> -> memref<256x64xf32, #tpu.memory_space<vmem>>
      %dma_wait3A_195 = arith.constant 0 : i32
      %dma_wait3A_196 = arith.constant 0 : i32
      %dma_wait3A_197 = tpu.memref_slice %arg5[%arg1, %dma_wait3A_195, %dma_wait3A_196] : memref<16x500x64xf32, #tpu.memory_space<hbm>> -> memref<1x256x64xf32, #tpu.memory_space<hbm>>
      %dma_wait3A_198 = tpu.memref_squeeze %dma_wait3A_197 : memref<1x256x64xf32, #tpu.memory_space<hbm>> -> memref<256x64xf32, #tpu.memory_space<hbm>>
      %dma_wait3A_199 = arith.constant 0 : i32
      %dma_wait3A_200 = arith.constant 0 : i32
      %dma_wait3A_201 = tpu.memref_slice %arg11[%dma_wait3A_199, %dma_wait3A_200] : memref<256x64xf32, #tpu.memory_space<vmem>> -> memref<256x64xf32, #tpu.memory_space<vmem>>
      %dma_wait3A_202 = arith.constant 0 : i32
      %dma_wait3A_203 = arith.constant 0 : i32
      %dma_wait3A_204 = tpu.memref_slice %arg5[%arg1, %dma_wait3A_202, %dma_wait3A_203] : memref<16x500x64xf32, #tpu.memory_space<hbm>> -> memref<1x256x64xf32, #tpu.memory_space<hbm>>
      %dma_wait3A_205 = tpu.memref_squeeze %dma_wait3A_204 : memref<1x256x64xf32, #tpu.memory_space<hbm>> -> memref<256x64xf32, #tpu.memory_space<hbm>>
      tpu.wait_dma2 semaphore(%arg15 : memref<!tpu.dma_semaphore, #tpu.memory_space<semaphore_mem>>) src(%dma_wait3A_205 : memref<256x64xf32, #tpu.memory_space<hbm>>) dst(%dma_wait3A_201 : memref<256x64xf32, #tpu.memory_space<vmem>>)
    } else {
    }
    %eq3A_89 = arith.constant 1 : i32
    %eq3A_90 = arith.cmpi eq, %arg0, %eq3A_89 : i32
    %convert_element_type3A_91 = arith.extui %eq3A_90 : i1 to i32
    %cond3A_92 = arith.constant 0 : i32
    %cond3A_93 = arith.cmpi ne, %convert_element_type3A_91, %cond3A_92 : i32
    scf.if %cond3A_93 {
      %dma_wait3A_178 = arith.constant 0 : i32
      %dma_wait3A_179 = arith.constant 0 : i32
      %dma_wait3A_180 = tpu.memref_slice %arg10[%dma_wait3A_178, %dma_wait3A_179] : memref<256x64xf32, #tpu.memory_space<vmem>> -> memref<244x64xf32, #tpu.memory_space<vmem>>
      %dma_wait3A_181 = arith.constant 256 : i32
      %dma_wait3A_182 = arith.constant 0 : i32
      %dma_wait3A_183 = tpu.memref_slice %arg4[%arg1, %dma_wait3A_181, %dma_wait3A_182] : memref<16x500x64xf32, #tpu.memory_space<hbm>> -> memref<1x244x64xf32, #tpu.memory_space<hbm>>
      %dma_wait3A_184 = tpu.memref_squeeze %dma_wait3A_183 : memref<1x244x64xf32, #tpu.memory_space<hbm>> -> memref<244x64xf32, #tpu.memory_space<hbm>>
      %dma_wait3A_185 = arith.constant 0 : i32
      %dma_wait3A_186 = arith.constant 0 : i32
      %dma_wait3A_187 = tpu.memref_slice %arg10[%dma_wait3A_185, %dma_wait3A_186] : memref<256x64xf32, #tpu.memory_space<vmem>> -> memref<244x64xf32, #tpu.memory_space<vmem>>
      %dma_wait3A_188 = arith.constant 256 : i32
      %dma_wait3A_189 = arith.constant 0 : i32
      %dma_wait3A_190 = tpu.memref_slice %arg4[%arg1, %dma_wait3A_188, %dma_wait3A_189] : memref<16x500x64xf32, #tpu.memory_space<hbm>> -> memref<1x244x64xf32, #tpu.memory_space<hbm>>
      %dma_wait3A_191 = tpu.memref_squeeze %dma_wait3A_190 : memref<1x244x64xf32, #tpu.memory_space<hbm>> -> memref<244x64xf32, #tpu.memory_space<hbm>>
      tpu.wait_dma2 semaphore(%arg14 : memref<!tpu.dma_semaphore, #tpu.memory_space<semaphore_mem>>) src(%dma_wait3A_191 : memref<244x64xf32, #tpu.memory_space<hbm>>) dst(%dma_wait3A_187 : memref<244x64xf32, #tpu.memory_space<vmem>>)
      %dma_wait3A_192 = arith.constant 0 : i32
      %dma_wait3A_193 = arith.constant 0 : i32
      %dma_wait3A_194 = tpu.memref_slice %arg11[%dma_wait3A_192, %dma_wait3A_193] : memref<256x64xf32, #tpu.memory_space<vmem>> -> memref<244x64xf32, #tpu.memory_space<vmem>>
      %dma_wait3A_195 = arith.constant 256 : i32
      %dma_wait3A_196 = arith.constant 0 : i32
      %dma_wait3A_197 = tpu.memref_slice %arg5[%arg1, %dma_wait3A_195, %dma_wait3A_196] : memref<16x500x64xf32, #tpu.memory_space<hbm>> -> memref<1x244x64xf32, #tpu.memory_space<hbm>>
      %dma_wait3A_198 = tpu.memref_squeeze %dma_wait3A_197 : memref<1x244x64xf32, #tpu.memory_space<hbm>> -> memref<244x64xf32, #tpu.memory_space<hbm>>
      %dma_wait3A_199 = arith.constant 0 : i32
      %dma_wait3A_200 = arith.constant 0 : i32
      %dma_wait3A_201 = tpu.memref_slice %arg11[%dma_wait3A_199, %dma_wait3A_200] : memref<256x64xf32, #tpu.memory_space<vmem>> -> memref<244x64xf32, #tpu.memory_space<vmem>>
      %dma_wait3A_202 = arith.constant 256 : i32
      %dma_wait3A_203 = arith.constant 0 : i32
      %dma_wait3A_204 = tpu.memref_slice %arg5[%arg1, %dma_wait3A_202, %dma_wait3A_203] : memref<16x500x64xf32, #tpu.memory_space<hbm>> -> memref<1x244x64xf32, #tpu.memory_space<hbm>>
      %dma_wait3A_205 = tpu.memref_squeeze %dma_wait3A_204 : memref<1x244x64xf32, #tpu.memory_space<hbm>> -> memref<244x64xf32, #tpu.memory_space<hbm>>
      tpu.wait_dma2 semaphore(%arg15 : memref<!tpu.dma_semaphore, #tpu.memory_space<semaphore_mem>>) src(%dma_wait3A_205 : memref<244x64xf32, #tpu.memory_space<hbm>>) dst(%dma_wait3A_201 : memref<244x64xf32, #tpu.memory_space<vmem>>)
    } else {
    }
    %eq3A_94 = arith.constant 0 : i32
    %eq3A_95 = arith.cmpi eq, %arg0, %eq3A_94 : i32
    %jit3A = arith.constant 256 : i32
    %jit3A_96 = arith.constant 244 : i32
    %select_n3A = arith.select %eq3A_95, %jit3A, %jit3A_96 : i32
    %broadcast_in_dim3A = arith.constant 0.000000e+00 : f32
    %broadcast_in_dim3A_97 = vector.broadcast %broadcast_in_dim3A : f32 to vector<16xf32>
    %dma_wait3A = arith.constant 0 : i32
    %dma_wait3A_98 = tpu.memref_slice %arg9[%dma_wait3A] : memref<16384xf32, #tpu.memory_space<vmem>> -> memref<4096xf32, #tpu.memory_space<vmem>>
    %dma_wait3A_99 = arith.constant 0 : i32
    %dma_wait3A_100 = tpu.memref_slice %arg8[%dma_wait3A_99] : memref<16384xi32, #tpu.memory_space<vmem>> -> memref<4096xi32, #tpu.memory_space<vmem>>
    %dma_wait3A_101 = arith.constant 0 : i32
    %dma_wait3A_102 = tpu.memref_slice %arg2[%dma_wait3A_101] : memref<16777216xf32, #tpu.memory_space<hbm>> -> memref<16777216xf32, #tpu.memory_space<hbm>>
    tpu.wait_indirect_dma semaphore(%arg13 : memref<!tpu.dma_semaphore, #tpu.memory_space<semaphore_mem>>) src(%dma_wait3A_102 : memref<16777216xf32, #tpu.memory_space<hbm>>) dst(%dma_wait3A_98 : memref<4096xf32, #tpu.memory_space<vmem>>)
    %min3A = arith.constant 64 : i32
    %min3A_103 = arith.minsi %min3A, %select_n3A : i32
    %while3A = arith.constant 0 : i32
    %while3A_104 = arith.subi %min3A_103, %while3A : i32
    %while3A_105 = arith.addi %while3A, %while3A_104 : i32
    %while3A_106 = arith.constant 1 : i32
    %while3A_107 = arith.divsi %while3A_104, %while3A_106 : i32
    %while3A_108 = arith.muli %while3A_107, %while3A_106 : i32
    %while3A_109 = arith.addi %while3A, %while3A_108 : i32
    %while3A_110 = arith.constant 1 : i32
    %while3A_111:2 = scf.for %while3A_178 = %while3A to %while3A_109 step %while3A_110 iter_args(%while3A_179 = %broadcast_in_dim3A_97, %while3A_180 = %broadcast_in_dim3A_97) -> (vector<16xf32>, vector<16xf32>)  : i32 {
      %mul3A_181 = arith.constant 64 : i32
      %mul3A_182 = arith.muli %while3A_178, %mul3A_181 : i32
      %add3A_183 = arith.constant 0 : i32
      %add3A_184 = arith.addi %mul3A_182, %add3A_183 : i32
      %get3A = arith.index_cast %add3A_184 : i32 to index
      %get3A_185 = tpu.vector_load %arg9[%get3A] {strides = array<i32>} : memref<16384xf32, #tpu.memory_space<vmem>>, vector<16xf32>,
      %get3A_186 = vector.shape_cast %get3A_185 : vector<16xf32> to vector<16xf32>
      %get3A_187 = arith.index_cast %while3A_178 : i32 to index
      %get3A_188 = arith.constant 0 : index
      %get3A_189 = tpu.vector_load %arg10[%get3A_187, %get3A_188] {strides = array<i32>} : memref<256x64xf32, #tpu.memory_space<vmem>>, vector<1x16xf32>,
      %get3A_190 = vector.shape_cast %get3A_189 : vector<1x16xf32> to vector<16xf32>
      %get3A_191 = arith.index_cast %while3A_178 : i32 to index
      %get3A_192 = arith.constant 0 : index
      %get3A_193 = tpu.vector_load %arg11[%get3A_191, %get3A_192] {strides = array<i32>} : memref<256x64xf32, #tpu.memory_space<vmem>>, vector<1x16xf32>,
      %get3A_194 = vector.shape_cast %get3A_193 : vector<1x16xf32> to vector<16xf32>
      %mul3A_195 = arith.mulf %get3A_186, %get3A_190 : vector<16xf32>
      %mul3A_196 = arith.mulf %get3A_194, %get3A_190 : vector<16xf32>
      %sub3A = arith.subf %mul3A_195, %mul3A_196 : vector<16xf32>
      %abs3A = math.absf %sub3A : vector<16xf32>
      %add3A_197 = arith.addf %while3A_179, %abs3A : vector<16xf32>
      %add3A_198 = arith.addf %while3A_180, %get3A_190 : vector<16xf32>
      %mul3A_199 = arith.constant 64 : i32
      %mul3A_200 = arith.muli %while3A_178, %mul3A_199 : i32
      %add3A_201 = arith.constant 16 : i32
      %add3A_202 = arith.addi %mul3A_200, %add3A_201 : i32
      %get3A_203 = arith.index_cast %add3A_202 : i32 to index
      %get3A_204 = tpu.vector_load %arg9[%get3A_203] {strides = array<i32>} : memref<16384xf32, #tpu.memory_space<vmem>>, vector<16xf32>,
      %get3A_205 = vector.shape_cast %get3A_204 : vector<16xf32> to vector<16xf32>
      %get3A_206 = arith.index_cast %while3A_178 : i32 to index
      %get3A_207 = arith.constant 16 : index
      %get3A_208 = tpu.vector_load %arg10[%get3A_206, %get3A_207] {strides = array<i32>} : memref<256x64xf32, #tpu.memory_space<vmem>>, vector<1x16xf32>,
      %get3A_209 = vector.shape_cast %get3A_208 : vector<1x16xf32> to vector<16xf32>
      %get3A_210 = arith.index_cast %while3A_178 : i32 to index
      %get3A_211 = arith.constant 16 : index
      %get3A_212 = tpu.vector_load %arg11[%get3A_210, %get3A_211] {strides = array<i32>} : memref<256x64xf32, #tpu.memory_space<vmem>>, vector<1x16xf32>,
      %get3A_213 = vector.shape_cast %get3A_212 : vector<1x16xf32> to vector<16xf32>
      %mul3A_214 = arith.mulf %get3A_205, %get3A_209 : vector<16xf32>
      %mul3A_215 = arith.mulf %get3A_213, %get3A_209 : vector<16xf32>
      %sub3A_216 = arith.subf %mul3A_214, %mul3A_215 : vector<16xf32>
      %abs3A_217 = math.absf %sub3A_216 : vector<16xf32>
      %add3A_218 = arith.addf %add3A_197, %abs3A_217 : vector<16xf32>
      %add3A_219 = arith.addf %add3A_198, %get3A_209 : vector<16xf32>
      %mul3A_220 = arith.constant 64 : i32
      %mul3A_221 = arith.muli %while3A_178, %mul3A_220 : i32
      %add3A_222 = arith.constant 32 : i32
      %add3A_223 = arith.addi %mul3A_221, %add3A_222 : i32
      %get3A_224 = arith.index_cast %add3A_223 : i32 to index
      %get3A_225 = tpu.vector_load %arg9[%get3A_224] {strides = array<i32>} : memref<16384xf32, #tpu.memory_space<vmem>>, vector<16xf32>,
      %get3A_226 = vector.shape_cast %get3A_225 : vector<16xf32> to vector<16xf32>
      %get3A_227 = arith.index_cast %while3A_178 : i32 to index
      %get3A_228 = arith.constant 32 : index
      %get3A_229 = tpu.vector_load %arg10[%get3A_227, %get3A_228] {strides = array<i32>} : memref<256x64xf32, #tpu.memory_space<vmem>>, vector<1x16xf32>,
      %get3A_230 = vector.shape_cast %get3A_229 : vector<1x16xf32> to vector<16xf32>
      %get3A_231 = arith.index_cast %while3A_178 : i32 to index
      %get3A_232 = arith.constant 32 : index
      %get3A_233 = tpu.vector_load %arg11[%get3A_231, %get3A_232] {strides = array<i32>} : memref<256x64xf32, #tpu.memory_space<vmem>>, vector<1x16xf32>,
      %get3A_234 = vector.shape_cast %get3A_233 : vector<1x16xf32> to vector<16xf32>
      %mul3A_235 = arith.mulf %get3A_226, %get3A_230 : vector<16xf32>
      %mul3A_236 = arith.mulf %get3A_234, %get3A_230 : vector<16xf32>
      %sub3A_237 = arith.subf %mul3A_235, %mul3A_236 : vector<16xf32>
      %abs3A_238 = math.absf %sub3A_237 : vector<16xf32>
      %add3A_239 = arith.addf %add3A_218, %abs3A_238 : vector<16xf32>
      %add3A_240 = arith.addf %add3A_219, %get3A_230 : vector<16xf32>
      %mul3A_241 = arith.constant 64 : i32
      %mul3A_242 = arith.muli %while3A_178, %mul3A_241 : i32
      %add3A_243 = arith.constant 48 : i32
      %add3A_244 = arith.addi %mul3A_242, %add3A_243 : i32
      %get3A_245 = arith.index_cast %add3A_244 : i32 to index
      %get3A_246 = tpu.vector_load %arg9[%get3A_245] {strides = array<i32>} : memref<16384xf32, #tpu.memory_space<vmem>>, vector<16xf32>,
      %get3A_247 = vector.shape_cast %get3A_246 : vector<16xf32> to vector<16xf32>
      %get3A_248 = arith.index_cast %while3A_178 : i32 to index
      %get3A_249 = arith.constant 48 : index
      %get3A_250 = tpu.vector_load %arg10[%get3A_248, %get3A_249] {strides = array<i32>} : memref<256x64xf32, #tpu.memory_space<vmem>>, vector<1x16xf32>,
      %get3A_251 = vector.shape_cast %get3A_250 : vector<1x16xf32> to vector<16xf32>
      %get3A_252 = arith.index_cast %while3A_178 : i32 to index
      %get3A_253 = arith.constant 48 : index
      %get3A_254 = tpu.vector_load %arg11[%get3A_252, %get3A_253] {strides = array<i32>} : memref<256x64xf32, #tpu.memory_space<vmem>>, vector<1x16xf32>,
      %get3A_255 = vector.shape_cast %get3A_254 : vector<1x16xf32> to vector<16xf32>
      %mul3A_256 = arith.mulf %get3A_247, %get3A_251 : vector<16xf32>
      %mul3A_257 = arith.mulf %get3A_255, %get3A_251 : vector<16xf32>
      %sub3A_258 = arith.subf %mul3A_256, %mul3A_257 : vector<16xf32>
      %abs3A_259 = math.absf %sub3A_258 : vector<16xf32>
      %add3A_260 = arith.addf %add3A_239, %abs3A_259 : vector<16xf32>
      %add3A_261 = arith.addf %add3A_240, %get3A_251 : vector<16xf32>
      scf.yield %add3A_260, %add3A_261 : vector<16xf32>, vector<16xf32>
    }
    %while3A_112 = arith.constant 1 : i32
    %while3A_113:2 = scf.for %while3A_178 = %while3A_109 to %while3A_105 step %while3A_112 iter_args(%while3A_179 = %while3A_111#0, %while3A_180 = %while3A_111#1) -> (vector<16xf32>, vector<16xf32>)  : i32 {
      %mul3A_181 = arith.constant 64 : i32
      %mul3A_182 = arith.muli %while3A_178, %mul3A_181 : i32
      %add3A_183 = arith.constant 0 : i32
      %add3A_184 = arith.addi %mul3A_182, %add3A_183 : i32
      %get3A = arith.index_cast %add3A_184 : i32 to index
      %get3A_185 = tpu.vector_load %arg9[%get3A] {strides = array<i32>} : memref<16384xf32, #tpu.memory_space<vmem>>, vector<16xf32>,
      %get3A_186 = vector.shape_cast %get3A_185 : vector<16xf32> to vector<16xf32>
      %get3A_187 = arith.index_cast %while3A_178 : i32 to index
      %get3A_188 = arith.constant 0 : index
      %get3A_189 = tpu.vector_load %arg10[%get3A_187, %get3A_188] {strides = array<i32>} : memref<256x64xf32, #tpu.memory_space<vmem>>, vector<1x16xf32>,
      %get3A_190 = vector.shape_cast %get3A_189 : vector<1x16xf32> to vector<16xf32>
      %get3A_191 = arith.index_cast %while3A_178 : i32 to index
      %get3A_192 = arith.constant 0 : index
      %get3A_193 = tpu.vector_load %arg11[%get3A_191, %get3A_192] {strides = array<i32>} : memref<256x64xf32, #tpu.memory_space<vmem>>, vector<1x16xf32>,
      %get3A_194 = vector.shape_cast %get3A_193 : vector<1x16xf32> to vector<16xf32>
      %mul3A_195 = arith.mulf %get3A_186, %get3A_190 : vector<16xf32>
      %mul3A_196 = arith.mulf %get3A_194, %get3A_190 : vector<16xf32>
      %sub3A = arith.subf %mul3A_195, %mul3A_196 : vector<16xf32>
      %abs3A = math.absf %sub3A : vector<16xf32>
      %add3A_197 = arith.addf %while3A_179, %abs3A : vector<16xf32>
      %add3A_198 = arith.addf %while3A_180, %get3A_190 : vector<16xf32>
      %mul3A_199 = arith.constant 64 : i32
      %mul3A_200 = arith.muli %while3A_178, %mul3A_199 : i32
      %add3A_201 = arith.constant 16 : i32
      %add3A_202 = arith.addi %mul3A_200, %add3A_201 : i32
      %get3A_203 = arith.index_cast %add3A_202 : i32 to index
      %get3A_204 = tpu.vector_load %arg9[%get3A_203] {strides = array<i32>} : memref<16384xf32, #tpu.memory_space<vmem>>, vector<16xf32>,
      %get3A_205 = vector.shape_cast %get3A_204 : vector<16xf32> to vector<16xf32>
      %get3A_206 = arith.index_cast %while3A_178 : i32 to index
      %get3A_207 = arith.constant 16 : index
      %get3A_208 = tpu.vector_load %arg10[%get3A_206, %get3A_207] {strides = array<i32>} : memref<256x64xf32, #tpu.memory_space<vmem>>, vector<1x16xf32>,
      %get3A_209 = vector.shape_cast %get3A_208 : vector<1x16xf32> to vector<16xf32>
      %get3A_210 = arith.index_cast %while3A_178 : i32 to index
      %get3A_211 = arith.constant 16 : index
      %get3A_212 = tpu.vector_load %arg11[%get3A_210, %get3A_211] {strides = array<i32>} : memref<256x64xf32, #tpu.memory_space<vmem>>, vector<1x16xf32>,
      %get3A_213 = vector.shape_cast %get3A_212 : vector<1x16xf32> to vector<16xf32>
      %mul3A_214 = arith.mulf %get3A_205, %get3A_209 : vector<16xf32>
      %mul3A_215 = arith.mulf %get3A_213, %get3A_209 : vector<16xf32>
      %sub3A_216 = arith.subf %mul3A_214, %mul3A_215 : vector<16xf32>
      %abs3A_217 = math.absf %sub3A_216 : vector<16xf32>
      %add3A_218 = arith.addf %add3A_197, %abs3A_217 : vector<16xf32>
      %add3A_219 = arith.addf %add3A_198, %get3A_209 : vector<16xf32>
      %mul3A_220 = arith.constant 64 : i32
      %mul3A_221 = arith.muli %while3A_178, %mul3A_220 : i32
      %add3A_222 = arith.constant 32 : i32
      %add3A_223 = arith.addi %mul3A_221, %add3A_222 : i32
      %get3A_224 = arith.index_cast %add3A_223 : i32 to index
      %get3A_225 = tpu.vector_load %arg9[%get3A_224] {strides = array<i32>} : memref<16384xf32, #tpu.memory_space<vmem>>, vector<16xf32>,
      %get3A_226 = vector.shape_cast %get3A_225 : vector<16xf32> to vector<16xf32>
      %get3A_227 = arith.index_cast %while3A_178 : i32 to index
      %get3A_228 = arith.constant 32 : index
      %get3A_229 = tpu.vector_load %arg10[%get3A_227, %get3A_228] {strides = array<i32>} : memref<256x64xf32, #tpu.memory_space<vmem>>, vector<1x16xf32>,
      %get3A_230 = vector.shape_cast %get3A_229 : vector<1x16xf32> to vector<16xf32>
      %get3A_231 = arith.index_cast %while3A_178 : i32 to index
      %get3A_232 = arith.constant 32 : index
      %get3A_233 = tpu.vector_load %arg11[%get3A_231, %get3A_232] {strides = array<i32>} : memref<256x64xf32, #tpu.memory_space<vmem>>, vector<1x16xf32>,
      %get3A_234 = vector.shape_cast %get3A_233 : vector<1x16xf32> to vector<16xf32>
      %mul3A_235 = arith.mulf %get3A_226, %get3A_230 : vector<16xf32>
      %mul3A_236 = arith.mulf %get3A_234, %get3A_230 : vector<16xf32>
      %sub3A_237 = arith.subf %mul3A_235, %mul3A_236 : vector<16xf32>
      %abs3A_238 = math.absf %sub3A_237 : vector<16xf32>
      %add3A_239 = arith.addf %add3A_218, %abs3A_238 : vector<16xf32>
      %add3A_240 = arith.addf %add3A_219, %get3A_230 : vector<16xf32>
      %mul3A_241 = arith.constant 64 : i32
      %mul3A_242 = arith.muli %while3A_178, %mul3A_241 : i32
      %add3A_243 = arith.constant 48 : i32
      %add3A_244 = arith.addi %mul3A_242, %add3A_243 : i32
      %get3A_245 = arith.index_cast %add3A_244 : i32 to index
      %get3A_246 = tpu.vector_load %arg9[%get3A_245] {strides = array<i32>} : memref<16384xf32, #tpu.memory_space<vmem>>, vector<16xf32>,
      %get3A_247 = vector.shape_cast %get3A_246 : vector<16xf32> to vector<16xf32>
      %get3A_248 = arith.index_cast %while3A_178 : i32 to index
      %get3A_249 = arith.constant 48 : index
      %get3A_250 = tpu.vector_load %arg10[%get3A_248, %get3A_249] {strides = array<i32>} : memref<256x64xf32, #tpu.memory_space<vmem>>, vector<1x16xf32>,
      %get3A_251 = vector.shape_cast %get3A_250 : vector<1x16xf32> to vector<16xf32>
      %get3A_252 = arith.index_cast %while3A_178 : i32 to index
      %get3A_253 = arith.constant 48 : index
      %get3A_254 = tpu.vector_load %arg11[%get3A_252, %get3A_253] {strides = array<i32>} : memref<256x64xf32, #tpu.memory_space<vmem>>, vector<1x16xf32>,
      %get3A_255 = vector.shape_cast %get3A_254 : vector<1x16xf32> to vector<16xf32>
      %mul3A_256 = arith.mulf %get3A_247, %get3A_251 : vector<16xf32>
      %mul3A_257 = arith.mulf %get3A_255, %get3A_251 : vector<16xf32>
      %sub3A_258 = arith.subf %mul3A_256, %mul3A_257 : vector<16xf32>
      %abs3A_259 = math.absf %sub3A_258 : vector<16xf32>
      %add3A_260 = arith.addf %add3A_239, %abs3A_259 : vector<16xf32>
      %add3A_261 = arith.addf %add3A_240, %get3A_251 : vector<16xf32>
      scf.yield %add3A_260, %add3A_261 : vector<16xf32>, vector<16xf32>
    }
    %dma_wait3A_114 = arith.constant 4096 : i32
    %dma_wait3A_115 = tpu.memref_slice %arg9[%dma_wait3A_114] : memref<16384xf32, #tpu.memory_space<vmem>> -> memref<4096xf32, #tpu.memory_space<vmem>>
    %dma_wait3A_116 = arith.constant 4096 : i32
    %dma_wait3A_117 = tpu.memref_slice %arg8[%dma_wait3A_116] : memref<16384xi32, #tpu.memory_space<vmem>> -> memref<4096xi32, #tpu.memory_space<vmem>>
    %dma_wait3A_118 = arith.constant 0 : i32
    %dma_wait3A_119 = tpu.memref_slice %arg2[%dma_wait3A_118] : memref<16777216xf32, #tpu.memory_space<hbm>> -> memref<16777216xf32, #tpu.memory_space<hbm>>
    tpu.wait_indirect_dma semaphore(%arg13 : memref<!tpu.dma_semaphore, #tpu.memory_space<semaphore_mem>>) src(%dma_wait3A_119 : memref<16777216xf32, #tpu.memory_space<hbm>>) dst(%dma_wait3A_115 : memref<4096xf32, #tpu.memory_space<vmem>>)
    %min3A_120 = arith.constant 128 : i32
    %min3A_121 = arith.minsi %min3A_120, %select_n3A : i32
    %while3A_122 = arith.constant 64 : i32
    %while3A_123 = arith.subi %min3A_121, %while3A_122 : i32
    %while3A_124 = arith.addi %while3A_122, %while3A_123 : i32
    %while3A_125 = arith.constant 1 : i32
    %while3A_126 = arith.divsi %while3A_123, %while3A_125 : i32
    %while3A_127 = arith.muli %while3A_126, %while3A_125 : i32
    %while3A_128 = arith.addi %while3A_122, %while3A_127 : i32
    %while3A_129 = arith.constant 1 : i32
    %while3A_130:2 = scf.for %while3A_178 = %while3A_122 to %while3A_128 step %while3A_129 iter_args(%while3A_179 = %while3A_113#0, %while3A_180 = %while3A_113#1) -> (vector<16xf32>, vector<16xf32>)  : i32 {
      %mul3A_181 = arith.constant 64 : i32
      %mul3A_182 = arith.muli %while3A_178, %mul3A_181 : i32
      %add3A_183 = arith.constant 0 : i32
      %add3A_184 = arith.addi %mul3A_182, %add3A_183 : i32
      %get3A = arith.index_cast %add3A_184 : i32 to index
      %get3A_185 = tpu.vector_load %arg9[%get3A] {strides = array<i32>} : memref<16384xf32, #tpu.memory_space<vmem>>, vector<16xf32>,
      %get3A_186 = vector.shape_cast %get3A_185 : vector<16xf32> to vector<16xf32>
      %get3A_187 = arith.index_cast %while3A_178 : i32 to index
      %get3A_188 = arith.constant 0 : index
      %get3A_189 = tpu.vector_load %arg10[%get3A_187, %get3A_188] {strides = array<i32>} : memref<256x64xf32, #tpu.memory_space<vmem>>, vector<1x16xf32>,
      %get3A_190 = vector.shape_cast %get3A_189 : vector<1x16xf32> to vector<16xf32>
      %get3A_191 = arith.index_cast %while3A_178 : i32 to index
      %get3A_192 = arith.constant 0 : index
      %get3A_193 = tpu.vector_load %arg11[%get3A_191, %get3A_192] {strides = array<i32>} : memref<256x64xf32, #tpu.memory_space<vmem>>, vector<1x16xf32>,
      %get3A_194 = vector.shape_cast %get3A_193 : vector<1x16xf32> to vector<16xf32>
      %mul3A_195 = arith.mulf %get3A_186, %get3A_190 : vector<16xf32>
      %mul3A_196 = arith.mulf %get3A_194, %get3A_190 : vector<16xf32>
      %sub3A = arith.subf %mul3A_195, %mul3A_196 : vector<16xf32>
      %abs3A = math.absf %sub3A : vector<16xf32>
      %add3A_197 = arith.addf %while3A_179, %abs3A : vector<16xf32>
      %add3A_198 = arith.addf %while3A_180, %get3A_190 : vector<16xf32>
      %mul3A_199 = arith.constant 64 : i32
      %mul3A_200 = arith.muli %while3A_178, %mul3A_199 : i32
      %add3A_201 = arith.constant 16 : i32
      %add3A_202 = arith.addi %mul3A_200, %add3A_201 : i32
      %get3A_203 = arith.index_cast %add3A_202 : i32 to index
      %get3A_204 = tpu.vector_load %arg9[%get3A_203] {strides = array<i32>} : memref<16384xf32, #tpu.memory_space<vmem>>, vector<16xf32>,
      %get3A_205 = vector.shape_cast %get3A_204 : vector<16xf32> to vector<16xf32>
      %get3A_206 = arith.index_cast %while3A_178 : i32 to index
      %get3A_207 = arith.constant 16 : index
      %get3A_208 = tpu.vector_load %arg10[%get3A_206, %get3A_207] {strides = array<i32>} : memref<256x64xf32, #tpu.memory_space<vmem>>, vector<1x16xf32>,
      %get3A_209 = vector.shape_cast %get3A_208 : vector<1x16xf32> to vector<16xf32>
      %get3A_210 = arith.index_cast %while3A_178 : i32 to index
      %get3A_211 = arith.constant 16 : index
      %get3A_212 = tpu.vector_load %arg11[%get3A_210, %get3A_211] {strides = array<i32>} : memref<256x64xf32, #tpu.memory_space<vmem>>, vector<1x16xf32>,
      %get3A_213 = vector.shape_cast %get3A_212 : vector<1x16xf32> to vector<16xf32>
      %mul3A_214 = arith.mulf %get3A_205, %get3A_209 : vector<16xf32>
      %mul3A_215 = arith.mulf %get3A_213, %get3A_209 : vector<16xf32>
      %sub3A_216 = arith.subf %mul3A_214, %mul3A_215 : vector<16xf32>
      %abs3A_217 = math.absf %sub3A_216 : vector<16xf32>
      %add3A_218 = arith.addf %add3A_197, %abs3A_217 : vector<16xf32>
      %add3A_219 = arith.addf %add3A_198, %get3A_209 : vector<16xf32>
      %mul3A_220 = arith.constant 64 : i32
      %mul3A_221 = arith.muli %while3A_178, %mul3A_220 : i32
      %add3A_222 = arith.constant 32 : i32
      %add3A_223 = arith.addi %mul3A_221, %add3A_222 : i32
      %get3A_224 = arith.index_cast %add3A_223 : i32 to index
      %get3A_225 = tpu.vector_load %arg9[%get3A_224] {strides = array<i32>} : memref<16384xf32, #tpu.memory_space<vmem>>, vector<16xf32>,
      %get3A_226 = vector.shape_cast %get3A_225 : vector<16xf32> to vector<16xf32>
      %get3A_227 = arith.index_cast %while3A_178 : i32 to index
      %get3A_228 = arith.constant 32 : index
      %get3A_229 = tpu.vector_load %arg10[%get3A_227, %get3A_228] {strides = array<i32>} : memref<256x64xf32, #tpu.memory_space<vmem>>, vector<1x16xf32>,
      %get3A_230 = vector.shape_cast %get3A_229 : vector<1x16xf32> to vector<16xf32>
      %get3A_231 = arith.index_cast %while3A_178 : i32 to index
      %get3A_232 = arith.constant 32 : index
      %get3A_233 = tpu.vector_load %arg11[%get3A_231, %get3A_232] {strides = array<i32>} : memref<256x64xf32, #tpu.memory_space<vmem>>, vector<1x16xf32>,
      %get3A_234 = vector.shape_cast %get3A_233 : vector<1x16xf32> to vector<16xf32>
      %mul3A_235 = arith.mulf %get3A_226, %get3A_230 : vector<16xf32>
      %mul3A_236 = arith.mulf %get3A_234, %get3A_230 : vector<16xf32>
      %sub3A_237 = arith.subf %mul3A_235, %mul3A_236 : vector<16xf32>
      %abs3A_238 = math.absf %sub3A_237 : vector<16xf32>
      %add3A_239 = arith.addf %add3A_218, %abs3A_238 : vector<16xf32>
      %add3A_240 = arith.addf %add3A_219, %get3A_230 : vector<16xf32>
      %mul3A_241 = arith.constant 64 : i32
      %mul3A_242 = arith.muli %while3A_178, %mul3A_241 : i32
      %add3A_243 = arith.constant 48 : i32
      %add3A_244 = arith.addi %mul3A_242, %add3A_243 : i32
      %get3A_245 = arith.index_cast %add3A_244 : i32 to index
      %get3A_246 = tpu.vector_load %arg9[%get3A_245] {strides = array<i32>} : memref<16384xf32, #tpu.memory_space<vmem>>, vector<16xf32>,
      %get3A_247 = vector.shape_cast %get3A_246 : vector<16xf32> to vector<16xf32>
      %get3A_248 = arith.index_cast %while3A_178 : i32 to index
      %get3A_249 = arith.constant 48 : index
      %get3A_250 = tpu.vector_load %arg10[%get3A_248, %get3A_249] {strides = array<i32>} : memref<256x64xf32, #tpu.memory_space<vmem>>, vector<1x16xf32>,
      %get3A_251 = vector.shape_cast %get3A_250 : vector<1x16xf32> to vector<16xf32>
      %get3A_252 = arith.index_cast %while3A_178 : i32 to index
      %get3A_253 = arith.constant 48 : index
      %get3A_254 = tpu.vector_load %arg11[%get3A_252, %get3A_253] {strides = array<i32>} : memref<256x64xf32, #tpu.memory_space<vmem>>, vector<1x16xf32>,
      %get3A_255 = vector.shape_cast %get3A_254 : vector<1x16xf32> to vector<16xf32>
      %mul3A_256 = arith.mulf %get3A_247, %get3A_251 : vector<16xf32>
      %mul3A_257 = arith.mulf %get3A_255, %get3A_251 : vector<16xf32>
      %sub3A_258 = arith.subf %mul3A_256, %mul3A_257 : vector<16xf32>
      %abs3A_259 = math.absf %sub3A_258 : vector<16xf32>
      %add3A_260 = arith.addf %add3A_239, %abs3A_259 : vector<16xf32>
      %add3A_261 = arith.addf %add3A_240, %get3A_251 : vector<16xf32>
      scf.yield %add3A_260, %add3A_261 : vector<16xf32>, vector<16xf32>
    }
    %while3A_131 = arith.constant 1 : i32
    %while3A_132:2 = scf.for %while3A_178 = %while3A_128 to %while3A_124 step %while3A_131 iter_args(%while3A_179 = %while3A_130#0, %while3A_180 = %while3A_130#1) -> (vector<16xf32>, vector<16xf32>)  : i32 {
      %mul3A_181 = arith.constant 64 : i32
      %mul3A_182 = arith.muli %while3A_178, %mul3A_181 : i32
      %add3A_183 = arith.constant 0 : i32
      %add3A_184 = arith.addi %mul3A_182, %add3A_183 : i32
      %get3A = arith.index_cast %add3A_184 : i32 to index
      %get3A_185 = tpu.vector_load %arg9[%get3A] {strides = array<i32>} : memref<16384xf32, #tpu.memory_space<vmem>>, vector<16xf32>,
      %get3A_186 = vector.shape_cast %get3A_185 : vector<16xf32> to vector<16xf32>
      %get3A_187 = arith.index_cast %while3A_178 : i32 to index
      %get3A_188 = arith.constant 0 : index
      %get3A_189 = tpu.vector_load %arg10[%get3A_187, %get3A_188] {strides = array<i32>} : memref<256x64xf32, #tpu.memory_space<vmem>>, vector<1x16xf32>,
      %get3A_190 = vector.shape_cast %get3A_189 : vector<1x16xf32> to vector<16xf32>
      %get3A_191 = arith.index_cast %while3A_178 : i32 to index
      %get3A_192 = arith.constant 0 : index
      %get3A_193 = tpu.vector_load %arg11[%get3A_191, %get3A_192] {strides = array<i32>} : memref<256x64xf32, #tpu.memory_space<vmem>>, vector<1x16xf32>,
      %get3A_194 = vector.shape_cast %get3A_193 : vector<1x16xf32> to vector<16xf32>
      %mul3A_195 = arith.mulf %get3A_186, %get3A_190 : vector<16xf32>
      %mul3A_196 = arith.mulf %get3A_194, %get3A_190 : vector<16xf32>
      %sub3A = arith.subf %mul3A_195, %mul3A_196 : vector<16xf32>
      %abs3A = math.absf %sub3A : vector<16xf32>
      %add3A_197 = arith.addf %while3A_179, %abs3A : vector<16xf32>
      %add3A_198 = arith.addf %while3A_180, %get3A_190 : vector<16xf32>
      %mul3A_199 = arith.constant 64 : i32
      %mul3A_200 = arith.muli %while3A_178, %mul3A_199 : i32
      %add3A_201 = arith.constant 16 : i32
      %add3A_202 = arith.addi %mul3A_200, %add3A_201 : i32
      %get3A_203 = arith.index_cast %add3A_202 : i32 to index
      %get3A_204 = tpu.vector_load %arg9[%get3A_203] {strides = array<i32>} : memref<16384xf32, #tpu.memory_space<vmem>>, vector<16xf32>,
      %get3A_205 = vector.shape_cast %get3A_204 : vector<16xf32> to vector<16xf32>
      %get3A_206 = arith.index_cast %while3A_178 : i32 to index
      %get3A_207 = arith.constant 16 : index
      %get3A_208 = tpu.vector_load %arg10[%get3A_206, %get3A_207] {strides = array<i32>} : memref<256x64xf32, #tpu.memory_space<vmem>>, vector<1x16xf32>,
      %get3A_209 = vector.shape_cast %get3A_208 : vector<1x16xf32> to vector<16xf32>
      %get3A_210 = arith.index_cast %while3A_178 : i32 to index
      %get3A_211 = arith.constant 16 : index
      %get3A_212 = tpu.vector_load %arg11[%get3A_210, %get3A_211] {strides = array<i32>} : memref<256x64xf32, #tpu.memory_space<vmem>>, vector<1x16xf32>,
      %get3A_213 = vector.shape_cast %get3A_212 : vector<1x16xf32> to vector<16xf32>
      %mul3A_214 = arith.mulf %get3A_205, %get3A_209 : vector<16xf32>
      %mul3A_215 = arith.mulf %get3A_213, %get3A_209 : vector<16xf32>
      %sub3A_216 = arith.subf %mul3A_214, %mul3A_215 : vector<16xf32>
      %abs3A_217 = math.absf %sub3A_216 : vector<16xf32>
      %add3A_218 = arith.addf %add3A_197, %abs3A_217 : vector<16xf32>
      %add3A_219 = arith.addf %add3A_198, %get3A_209 : vector<16xf32>
      %mul3A_220 = arith.constant 64 : i32
      %mul3A_221 = arith.muli %while3A_178, %mul3A_220 : i32
      %add3A_222 = arith.constant 32 : i32
      %add3A_223 = arith.addi %mul3A_221, %add3A_222 : i32
      %get3A_224 = arith.index_cast %add3A_223 : i32 to index
      %get3A_225 = tpu.vector_load %arg9[%get3A_224] {strides = array<i32>} : memref<16384xf32, #tpu.memory_space<vmem>>, vector<16xf32>,
      %get3A_226 = vector.shape_cast %get3A_225 : vector<16xf32> to vector<16xf32>
      %get3A_227 = arith.index_cast %while3A_178 : i32 to index
      %get3A_228 = arith.constant 32 : index
      %get3A_229 = tpu.vector_load %arg10[%get3A_227, %get3A_228] {strides = array<i32>} : memref<256x64xf32, #tpu.memory_space<vmem>>, vector<1x16xf32>,
      %get3A_230 = vector.shape_cast %get3A_229 : vector<1x16xf32> to vector<16xf32>
      %get3A_231 = arith.index_cast %while3A_178 : i32 to index
      %get3A_232 = arith.constant 32 : index
      %get3A_233 = tpu.vector_load %arg11[%get3A_231, %get3A_232] {strides = array<i32>} : memref<256x64xf32, #tpu.memory_space<vmem>>, vector<1x16xf32>,
      %get3A_234 = vector.shape_cast %get3A_233 : vector<1x16xf32> to vector<16xf32>
      %mul3A_235 = arith.mulf %get3A_226, %get3A_230 : vector<16xf32>
      %mul3A_236 = arith.mulf %get3A_234, %get3A_230 : vector<16xf32>
      %sub3A_237 = arith.subf %mul3A_235, %mul3A_236 : vector<16xf32>
      %abs3A_238 = math.absf %sub3A_237 : vector<16xf32>
      %add3A_239 = arith.addf %add3A_218, %abs3A_238 : vector<16xf32>
      %add3A_240 = arith.addf %add3A_219, %get3A_230 : vector<16xf32>
      %mul3A_241 = arith.constant 64 : i32
      %mul3A_242 = arith.muli %while3A_178, %mul3A_241 : i32
      %add3A_243 = arith.constant 48 : i32
      %add3A_244 = arith.addi %mul3A_242, %add3A_243 : i32
      %get3A_245 = arith.index_cast %add3A_244 : i32 to index
      %get3A_246 = tpu.vector_load %arg9[%get3A_245] {strides = array<i32>} : memref<16384xf32, #tpu.memory_space<vmem>>, vector<16xf32>,
      %get3A_247 = vector.shape_cast %get3A_246 : vector<16xf32> to vector<16xf32>
      %get3A_248 = arith.index_cast %while3A_178 : i32 to index
      %get3A_249 = arith.constant 48 : index
      %get3A_250 = tpu.vector_load %arg10[%get3A_248, %get3A_249] {strides = array<i32>} : memref<256x64xf32, #tpu.memory_space<vmem>>, vector<1x16xf32>,
      %get3A_251 = vector.shape_cast %get3A_250 : vector<1x16xf32> to vector<16xf32>
      %get3A_252 = arith.index_cast %while3A_178 : i32 to index
      %get3A_253 = arith.constant 48 : index
      %get3A_254 = tpu.vector_load %arg11[%get3A_252, %get3A_253] {strides = array<i32>} : memref<256x64xf32, #tpu.memory_space<vmem>>, vector<1x16xf32>,
      %get3A_255 = vector.shape_cast %get3A_254 : vector<1x16xf32> to vector<16xf32>
      %mul3A_256 = arith.mulf %get3A_247, %get3A_251 : vector<16xf32>
      %mul3A_257 = arith.mulf %get3A_255, %get3A_251 : vector<16xf32>
      %sub3A_258 = arith.subf %mul3A_256, %mul3A_257 : vector<16xf32>
      %abs3A_259 = math.absf %sub3A_258 : vector<16xf32>
      %add3A_260 = arith.addf %add3A_239, %abs3A_259 : vector<16xf32>
      %add3A_261 = arith.addf %add3A_240, %get3A_251 : vector<16xf32>
      scf.yield %add3A_260, %add3A_261 : vector<16xf32>, vector<16xf32>
    }
    %dma_wait3A_133 = arith.constant 8192 : i32
    %dma_wait3A_134 = tpu.memref_slice %arg9[%dma_wait3A_133] : memref<16384xf32, #tpu.memory_space<vmem>> -> memref<4096xf32, #tpu.memory_space<vmem>>
    %dma_wait3A_135 = arith.constant 8192 : i32
    %dma_wait3A_136 = tpu.memref_slice %arg8[%dma_wait3A_135] : memref<16384xi32, #tpu.memory_space<vmem>> -> memref<4096xi32, #tpu.memory_space<vmem>>
    %dma_wait3A_137 = arith.constant 0 : i32
    %dma_wait3A_138 = tpu.memref_slice %arg2[%dma_wait3A_137] : memref<16777216xf32, #tpu.memory_space<hbm>> -> memref<16777216xf32, #tpu.memory_space<hbm>>
    tpu.wait_indirect_dma semaphore(%arg13 : memref<!tpu.dma_semaphore, #tpu.memory_space<semaphore_mem>>) src(%dma_wait3A_138 : memref<16777216xf32, #tpu.memory_space<hbm>>) dst(%dma_wait3A_134 : memref<4096xf32, #tpu.memory_space<vmem>>)
    %min3A_139 = arith.constant 192 : i32
    %min3A_140 = arith.minsi %min3A_139, %select_n3A : i32
    %while3A_141 = arith.constant 128 : i32
    %while3A_142 = arith.subi %min3A_140, %while3A_141 : i32
    %while3A_143 = arith.addi %while3A_141, %while3A_142 : i32
    %while3A_144 = arith.constant 1 : i32
    %while3A_145 = arith.divsi %while3A_142, %while3A_144 : i32
    %while3A_146 = arith.muli %while3A_145, %while3A_144 : i32
    %while3A_147 = arith.addi %while3A_141, %while3A_146 : i32
    %while3A_148 = arith.constant 1 : i32
    %while3A_149:2 = scf.for %while3A_178 = %while3A_141 to %while3A_147 step %while3A_148 iter_args(%while3A_179 = %while3A_132#0, %while3A_180 = %while3A_132#1) -> (vector<16xf32>, vector<16xf32>)  : i32 {
      %mul3A_181 = arith.constant 64 : i32
      %mul3A_182 = arith.muli %while3A_178, %mul3A_181 : i32
      %add3A_183 = arith.constant 0 : i32
      %add3A_184 = arith.addi %mul3A_182, %add3A_183 : i32
      %get3A = arith.index_cast %add3A_184 : i32 to index
      %get3A_185 = tpu.vector_load %arg9[%get3A] {strides = array<i32>} : memref<16384xf32, #tpu.memory_space<vmem>>, vector<16xf32>,
      %get3A_186 = vector.shape_cast %get3A_185 : vector<16xf32> to vector<16xf32>
      %get3A_187 = arith.index_cast %while3A_178 : i32 to index
      %get3A_188 = arith.constant 0 : index
      %get3A_189 = tpu.vector_load %arg10[%get3A_187, %get3A_188] {strides = array<i32>} : memref<256x64xf32, #tpu.memory_space<vmem>>, vector<1x16xf32>,
      %get3A_190 = vector.shape_cast %get3A_189 : vector<1x16xf32> to vector<16xf32>
      %get3A_191 = arith.index_cast %while3A_178 : i32 to index
      %get3A_192 = arith.constant 0 : index
      %get3A_193 = tpu.vector_load %arg11[%get3A_191, %get3A_192] {strides = array<i32>} : memref<256x64xf32, #tpu.memory_space<vmem>>, vector<1x16xf32>,
      %get3A_194 = vector.shape_cast %get3A_193 : vector<1x16xf32> to vector<16xf32>
      %mul3A_195 = arith.mulf %get3A_186, %get3A_190 : vector<16xf32>
      %mul3A_196 = arith.mulf %get3A_194, %get3A_190 : vector<16xf32>
      %sub3A = arith.subf %mul3A_195, %mul3A_196 : vector<16xf32>
      %abs3A = math.absf %sub3A : vector<16xf32>
      %add3A_197 = arith.addf %while3A_179, %abs3A : vector<16xf32>
      %add3A_198 = arith.addf %while3A_180, %get3A_190 : vector<16xf32>
      %mul3A_199 = arith.constant 64 : i32
      %mul3A_200 = arith.muli %while3A_178, %mul3A_199 : i32
      %add3A_201 = arith.constant 16 : i32
      %add3A_202 = arith.addi %mul3A_200, %add3A_201 : i32
      %get3A_203 = arith.index_cast %add3A_202 : i32 to index
      %get3A_204 = tpu.vector_load %arg9[%get3A_203] {strides = array<i32>} : memref<16384xf32, #tpu.memory_space<vmem>>, vector<16xf32>,
      %get3A_205 = vector.shape_cast %get3A_204 : vector<16xf32> to vector<16xf32>
      %get3A_206 = arith.index_cast %while3A_178 : i32 to index
      %get3A_207 = arith.constant 16 : index
      %get3A_208 = tpu.vector_load %arg10[%get3A_206, %get3A_207] {strides = array<i32>} : memref<256x64xf32, #tpu.memory_space<vmem>>, vector<1x16xf32>,
      %get3A_209 = vector.shape_cast %get3A_208 : vector<1x16xf32> to vector<16xf32>
      %get3A_210 = arith.index_cast %while3A_178 : i32 to index
      %get3A_211 = arith.constant 16 : index
      %get3A_212 = tpu.vector_load %arg11[%get3A_210, %get3A_211] {strides = array<i32>} : memref<256x64xf32, #tpu.memory_space<vmem>>, vector<1x16xf32>,
      %get3A_213 = vector.shape_cast %get3A_212 : vector<1x16xf32> to vector<16xf32>
      %mul3A_214 = arith.mulf %get3A_205, %get3A_209 : vector<16xf32>
      %mul3A_215 = arith.mulf %get3A_213, %get3A_209 : vector<16xf32>
      %sub3A_216 = arith.subf %mul3A_214, %mul3A_215 : vector<16xf32>
      %abs3A_217 = math.absf %sub3A_216 : vector<16xf32>
      %add3A_218 = arith.addf %add3A_197, %abs3A_217 : vector<16xf32>
      %add3A_219 = arith.addf %add3A_198, %get3A_209 : vector<16xf32>
      %mul3A_220 = arith.constant 64 : i32
      %mul3A_221 = arith.muli %while3A_178, %mul3A_220 : i32
      %add3A_222 = arith.constant 32 : i32
      %add3A_223 = arith.addi %mul3A_221, %add3A_222 : i32
      %get3A_224 = arith.index_cast %add3A_223 : i32 to index
      %get3A_225 = tpu.vector_load %arg9[%get3A_224] {strides = array<i32>} : memref<16384xf32, #tpu.memory_space<vmem>>, vector<16xf32>,
      %get3A_226 = vector.shape_cast %get3A_225 : vector<16xf32> to vector<16xf32>
      %get3A_227 = arith.index_cast %while3A_178 : i32 to index
      %get3A_228 = arith.constant 32 : index
      %get3A_229 = tpu.vector_load %arg10[%get3A_227, %get3A_228] {strides = array<i32>} : memref<256x64xf32, #tpu.memory_space<vmem>>, vector<1x16xf32>,
      %get3A_230 = vector.shape_cast %get3A_229 : vector<1x16xf32> to vector<16xf32>
      %get3A_231 = arith.index_cast %while3A_178 : i32 to index
      %get3A_232 = arith.constant 32 : index
      %get3A_233 = tpu.vector_load %arg11[%get3A_231, %get3A_232] {strides = array<i32>} : memref<256x64xf32, #tpu.memory_space<vmem>>, vector<1x16xf32>,
      %get3A_234 = vector.shape_cast %get3A_233 : vector<1x16xf32> to vector<16xf32>
      %mul3A_235 = arith.mulf %get3A_226, %get3A_230 : vector<16xf32>
      %mul3A_236 = arith.mulf %get3A_234, %get3A_230 : vector<16xf32>
      %sub3A_237 = arith.subf %mul3A_235, %mul3A_236 : vector<16xf32>
      %abs3A_238 = math.absf %sub3A_237 : vector<16xf32>
      %add3A_239 = arith.addf %add3A_218, %abs3A_238 : vector<16xf32>
      %add3A_240 = arith.addf %add3A_219, %get3A_230 : vector<16xf32>
      %mul3A_241 = arith.constant 64 : i32
      %mul3A_242 = arith.muli %while3A_178, %mul3A_241 : i32
      %add3A_243 = arith.constant 48 : i32
      %add3A_244 = arith.addi %mul3A_242, %add3A_243 : i32
      %get3A_245 = arith.index_cast %add3A_244 : i32 to index
      %get3A_246 = tpu.vector_load %arg9[%get3A_245] {strides = array<i32>} : memref<16384xf32, #tpu.memory_space<vmem>>, vector<16xf32>,
      %get3A_247 = vector.shape_cast %get3A_246 : vector<16xf32> to vector<16xf32>
      %get3A_248 = arith.index_cast %while3A_178 : i32 to index
      %get3A_249 = arith.constant 48 : index
      %get3A_250 = tpu.vector_load %arg10[%get3A_248, %get3A_249] {strides = array<i32>} : memref<256x64xf32, #tpu.memory_space<vmem>>, vector<1x16xf32>,
      %get3A_251 = vector.shape_cast %get3A_250 : vector<1x16xf32> to vector<16xf32>
      %get3A_252 = arith.index_cast %while3A_178 : i32 to index
      %get3A_253 = arith.constant 48 : index
      %get3A_254 = tpu.vector_load %arg11[%get3A_252, %get3A_253] {strides = array<i32>} : memref<256x64xf32, #tpu.memory_space<vmem>>, vector<1x16xf32>,
      %get3A_255 = vector.shape_cast %get3A_254 : vector<1x16xf32> to vector<16xf32>
      %mul3A_256 = arith.mulf %get3A_247, %get3A_251 : vector<16xf32>
      %mul3A_257 = arith.mulf %get3A_255, %get3A_251 : vector<16xf32>
      %sub3A_258 = arith.subf %mul3A_256, %mul3A_257 : vector<16xf32>
      %abs3A_259 = math.absf %sub3A_258 : vector<16xf32>
      %add3A_260 = arith.addf %add3A_239, %abs3A_259 : vector<16xf32>
      %add3A_261 = arith.addf %add3A_240, %get3A_251 : vector<16xf32>
      scf.yield %add3A_260, %add3A_261 : vector<16xf32>, vector<16xf32>
    }
    %while3A_150 = arith.constant 1 : i32
    %while3A_151:2 = scf.for %while3A_178 = %while3A_147 to %while3A_143 step %while3A_150 iter_args(%while3A_179 = %while3A_149#0, %while3A_180 = %while3A_149#1) -> (vector<16xf32>, vector<16xf32>)  : i32 {
      %mul3A_181 = arith.constant 64 : i32
      %mul3A_182 = arith.muli %while3A_178, %mul3A_181 : i32
      %add3A_183 = arith.constant 0 : i32
      %add3A_184 = arith.addi %mul3A_182, %add3A_183 : i32
      %get3A = arith.index_cast %add3A_184 : i32 to index
      %get3A_185 = tpu.vector_load %arg9[%get3A] {strides = array<i32>} : memref<16384xf32, #tpu.memory_space<vmem>>, vector<16xf32>,
      %get3A_186 = vector.shape_cast %get3A_185 : vector<16xf32> to vector<16xf32>
      %get3A_187 = arith.index_cast %while3A_178 : i32 to index
      %get3A_188 = arith.constant 0 : index
      %get3A_189 = tpu.vector_load %arg10[%get3A_187, %get3A_188] {strides = array<i32>} : memref<256x64xf32, #tpu.memory_space<vmem>>, vector<1x16xf32>,
      %get3A_190 = vector.shape_cast %get3A_189 : vector<1x16xf32> to vector<16xf32>
      %get3A_191 = arith.index_cast %while3A_178 : i32 to index
      %get3A_192 = arith.constant 0 : index
      %get3A_193 = tpu.vector_load %arg11[%get3A_191, %get3A_192] {strides = array<i32>} : memref<256x64xf32, #tpu.memory_space<vmem>>, vector<1x16xf32>,
      %get3A_194 = vector.shape_cast %get3A_193 : vector<1x16xf32> to vector<16xf32>
      %mul3A_195 = arith.mulf %get3A_186, %get3A_190 : vector<16xf32>
      %mul3A_196 = arith.mulf %get3A_194, %get3A_190 : vector<16xf32>
      %sub3A = arith.subf %mul3A_195, %mul3A_196 : vector<16xf32>
      %abs3A = math.absf %sub3A : vector<16xf32>
      %add3A_197 = arith.addf %while3A_179, %abs3A : vector<16xf32>
      %add3A_198 = arith.addf %while3A_180, %get3A_190 : vector<16xf32>
      %mul3A_199 = arith.constant 64 : i32
      %mul3A_200 = arith.muli %while3A_178, %mul3A_199 : i32
      %add3A_201 = arith.constant 16 : i32
      %add3A_202 = arith.addi %mul3A_200, %add3A_201 : i32
      %get3A_203 = arith.index_cast %add3A_202 : i32 to index
      %get3A_204 = tpu.vector_load %arg9[%get3A_203] {strides = array<i32>} : memref<16384xf32, #tpu.memory_space<vmem>>, vector<16xf32>,
      %get3A_205 = vector.shape_cast %get3A_204 : vector<16xf32> to vector<16xf32>
      %get3A_206 = arith.index_cast %while3A_178 : i32 to index
      %get3A_207 = arith.constant 16 : index
      %get3A_208 = tpu.vector_load %arg10[%get3A_206, %get3A_207] {strides = array<i32>} : memref<256x64xf32, #tpu.memory_space<vmem>>, vector<1x16xf32>,
      %get3A_209 = vector.shape_cast %get3A_208 : vector<1x16xf32> to vector<16xf32>
      %get3A_210 = arith.index_cast %while3A_178 : i32 to index
      %get3A_211 = arith.constant 16 : index
      %get3A_212 = tpu.vector_load %arg11[%get3A_210, %get3A_211] {strides = array<i32>} : memref<256x64xf32, #tpu.memory_space<vmem>>, vector<1x16xf32>,
      %get3A_213 = vector.shape_cast %get3A_212 : vector<1x16xf32> to vector<16xf32>
      %mul3A_214 = arith.mulf %get3A_205, %get3A_209 : vector<16xf32>
      %mul3A_215 = arith.mulf %get3A_213, %get3A_209 : vector<16xf32>
      %sub3A_216 = arith.subf %mul3A_214, %mul3A_215 : vector<16xf32>
      %abs3A_217 = math.absf %sub3A_216 : vector<16xf32>
      %add3A_218 = arith.addf %add3A_197, %abs3A_217 : vector<16xf32>
      %add3A_219 = arith.addf %add3A_198, %get3A_209 : vector<16xf32>
      %mul3A_220 = arith.constant 64 : i32
      %mul3A_221 = arith.muli %while3A_178, %mul3A_220 : i32
      %add3A_222 = arith.constant 32 : i32
      %add3A_223 = arith.addi %mul3A_221, %add3A_222 : i32
      %get3A_224 = arith.index_cast %add3A_223 : i32 to index
      %get3A_225 = tpu.vector_load %arg9[%get3A_224] {strides = array<i32>} : memref<16384xf32, #tpu.memory_space<vmem>>, vector<16xf32>,
      %get3A_226 = vector.shape_cast %get3A_225 : vector<16xf32> to vector<16xf32>
      %get3A_227 = arith.index_cast %while3A_178 : i32 to index
      %get3A_228 = arith.constant 32 : index
      %get3A_229 = tpu.vector_load %arg10[%get3A_227, %get3A_228] {strides = array<i32>} : memref<256x64xf32, #tpu.memory_space<vmem>>, vector<1x16xf32>,
      %get3A_230 = vector.shape_cast %get3A_229 : vector<1x16xf32> to vector<16xf32>
      %get3A_231 = arith.index_cast %while3A_178 : i32 to index
      %get3A_232 = arith.constant 32 : index
      %get3A_233 = tpu.vector_load %arg11[%get3A_231, %get3A_232] {strides = array<i32>} : memref<256x64xf32, #tpu.memory_space<vmem>>, vector<1x16xf32>,
      %get3A_234 = vector.shape_cast %get3A_233 : vector<1x16xf32> to vector<16xf32>
      %mul3A_235 = arith.mulf %get3A_226, %get3A_230 : vector<16xf32>
      %mul3A_236 = arith.mulf %get3A_234, %get3A_230 : vector<16xf32>
      %sub3A_237 = arith.subf %mul3A_235, %mul3A_236 : vector<16xf32>
      %abs3A_238 = math.absf %sub3A_237 : vector<16xf32>
      %add3A_239 = arith.addf %add3A_218, %abs3A_238 : vector<16xf32>
      %add3A_240 = arith.addf %add3A_219, %get3A_230 : vector<16xf32>
      %mul3A_241 = arith.constant 64 : i32
      %mul3A_242 = arith.muli %while3A_178, %mul3A_241 : i32
      %add3A_243 = arith.constant 48 : i32
      %add3A_244 = arith.addi %mul3A_242, %add3A_243 : i32
      %get3A_245 = arith.index_cast %add3A_244 : i32 to index
      %get3A_246 = tpu.vector_load %arg9[%get3A_245] {strides = array<i32>} : memref<16384xf32, #tpu.memory_space<vmem>>, vector<16xf32>,
      %get3A_247 = vector.shape_cast %get3A_246 : vector<16xf32> to vector<16xf32>
      %get3A_248 = arith.index_cast %while3A_178 : i32 to index
      %get3A_249 = arith.constant 48 : index
      %get3A_250 = tpu.vector_load %arg10[%get3A_248, %get3A_249] {strides = array<i32>} : memref<256x64xf32, #tpu.memory_space<vmem>>, vector<1x16xf32>,
      %get3A_251 = vector.shape_cast %get3A_250 : vector<1x16xf32> to vector<16xf32>
      %get3A_252 = arith.index_cast %while3A_178 : i32 to index
      %get3A_253 = arith.constant 48 : index
      %get3A_254 = tpu.vector_load %arg11[%get3A_252, %get3A_253] {strides = array<i32>} : memref<256x64xf32, #tpu.memory_space<vmem>>, vector<1x16xf32>,
      %get3A_255 = vector.shape_cast %get3A_254 : vector<1x16xf32> to vector<16xf32>
      %mul3A_256 = arith.mulf %get3A_247, %get3A_251 : vector<16xf32>
      %mul3A_257 = arith.mulf %get3A_255, %get3A_251 : vector<16xf32>
      %sub3A_258 = arith.subf %mul3A_256, %mul3A_257 : vector<16xf32>
      %abs3A_259 = math.absf %sub3A_258 : vector<16xf32>
      %add3A_260 = arith.addf %add3A_239, %abs3A_259 : vector<16xf32>
      %add3A_261 = arith.addf %add3A_240, %get3A_251 : vector<16xf32>
      scf.yield %add3A_260, %add3A_261 : vector<16xf32>, vector<16xf32>
    }
    %dma_wait3A_152 = arith.constant 12288 : i32
    %dma_wait3A_153 = tpu.memref_slice %arg9[%dma_wait3A_152] : memref<16384xf32, #tpu.memory_space<vmem>> -> memref<4096xf32, #tpu.memory_space<vmem>>
    %dma_wait3A_154 = arith.constant 12288 : i32
    %dma_wait3A_155 = tpu.memref_slice %arg8[%dma_wait3A_154] : memref<16384xi32, #tpu.memory_space<vmem>> -> memref<4096xi32, #tpu.memory_space<vmem>>
    %dma_wait3A_156 = arith.constant 0 : i32
    %dma_wait3A_157 = tpu.memref_slice %arg2[%dma_wait3A_156] : memref<16777216xf32, #tpu.memory_space<hbm>> -> memref<16777216xf32, #tpu.memory_space<hbm>>
    tpu.wait_indirect_dma semaphore(%arg13 : memref<!tpu.dma_semaphore, #tpu.memory_space<semaphore_mem>>) src(%dma_wait3A_157 : memref<16777216xf32, #tpu.memory_space<hbm>>) dst(%dma_wait3A_153 : memref<4096xf32, #tpu.memory_space<vmem>>)
    %min3A_158 = arith.constant 256 : i32
    %min3A_159 = arith.minsi %min3A_158, %select_n3A : i32
    %while3A_160 = arith.constant 192 : i32
    %while3A_161 = arith.subi %min3A_159, %while3A_160 : i32
    %while3A_162 = arith.addi %while3A_160, %while3A_161 : i32
    %while3A_163 = arith.constant 1 : i32
    %while3A_164 = arith.divsi %while3A_161, %while3A_163 : i32
    %while3A_165 = arith.muli %while3A_164, %while3A_163 : i32
    %while3A_166 = arith.addi %while3A_160, %while3A_165 : i32
    %while3A_167 = arith.constant 1 : i32
    %while3A_168:2 = scf.for %while3A_178 = %while3A_160 to %while3A_166 step %while3A_167 iter_args(%while3A_179 = %while3A_151#0, %while3A_180 = %while3A_151#1) -> (vector<16xf32>, vector<16xf32>)  : i32 {
      %mul3A_181 = arith.constant 64 : i32
      %mul3A_182 = arith.muli %while3A_178, %mul3A_181 : i32
      %add3A_183 = arith.constant 0 : i32
      %add3A_184 = arith.addi %mul3A_182, %add3A_183 : i32
      %get3A = arith.index_cast %add3A_184 : i32 to index
      %get3A_185 = tpu.vector_load %arg9[%get3A] {strides = array<i32>} : memref<16384xf32, #tpu.memory_space<vmem>>, vector<16xf32>,
      %get3A_186 = vector.shape_cast %get3A_185 : vector<16xf32> to vector<16xf32>
      %get3A_187 = arith.index_cast %while3A_178 : i32 to index
      %get3A_188 = arith.constant 0 : index
      %get3A_189 = tpu.vector_load %arg10[%get3A_187, %get3A_188] {strides = array<i32>} : memref<256x64xf32, #tpu.memory_space<vmem>>, vector<1x16xf32>,
      %get3A_190 = vector.shape_cast %get3A_189 : vector<1x16xf32> to vector<16xf32>
      %get3A_191 = arith.index_cast %while3A_178 : i32 to index
      %get3A_192 = arith.constant 0 : index
      %get3A_193 = tpu.vector_load %arg11[%get3A_191, %get3A_192] {strides = array<i32>} : memref<256x64xf32, #tpu.memory_space<vmem>>, vector<1x16xf32>,
      %get3A_194 = vector.shape_cast %get3A_193 : vector<1x16xf32> to vector<16xf32>
      %mul3A_195 = arith.mulf %get3A_186, %get3A_190 : vector<16xf32>
      %mul3A_196 = arith.mulf %get3A_194, %get3A_190 : vector<16xf32>
      %sub3A = arith.subf %mul3A_195, %mul3A_196 : vector<16xf32>
      %abs3A = math.absf %sub3A : vector<16xf32>
      %add3A_197 = arith.addf %while3A_179, %abs3A : vector<16xf32>
      %add3A_198 = arith.addf %while3A_180, %get3A_190 : vector<16xf32>
      %mul3A_199 = arith.constant 64 : i32
      %mul3A_200 = arith.muli %while3A_178, %mul3A_199 : i32
      %add3A_201 = arith.constant 16 : i32
      %add3A_202 = arith.addi %mul3A_200, %add3A_201 : i32
      %get3A_203 = arith.index_cast %add3A_202 : i32 to index
      %get3A_204 = tpu.vector_load %arg9[%get3A_203] {strides = array<i32>} : memref<16384xf32, #tpu.memory_space<vmem>>, vector<16xf32>,
      %get3A_205 = vector.shape_cast %get3A_204 : vector<16xf32> to vector<16xf32>
      %get3A_206 = arith.index_cast %while3A_178 : i32 to index
      %get3A_207 = arith.constant 16 : index
      %get3A_208 = tpu.vector_load %arg10[%get3A_206, %get3A_207] {strides = array<i32>} : memref<256x64xf32, #tpu.memory_space<vmem>>, vector<1x16xf32>,
      %get3A_209 = vector.shape_cast %get3A_208 : vector<1x16xf32> to vector<16xf32>
      %get3A_210 = arith.index_cast %while3A_178 : i32 to index
      %get3A_211 = arith.constant 16 : index
      %get3A_212 = tpu.vector_load %arg11[%get3A_210, %get3A_211] {strides = array<i32>} : memref<256x64xf32, #tpu.memory_space<vmem>>, vector<1x16xf32>,
      %get3A_213 = vector.shape_cast %get3A_212 : vector<1x16xf32> to vector<16xf32>
      %mul3A_214 = arith.mulf %get3A_205, %get3A_209 : vector<16xf32>
      %mul3A_215 = arith.mulf %get3A_213, %get3A_209 : vector<16xf32>
      %sub3A_216 = arith.subf %mul3A_214, %mul3A_215 : vector<16xf32>
      %abs3A_217 = math.absf %sub3A_216 : vector<16xf32>
      %add3A_218 = arith.addf %add3A_197, %abs3A_217 : vector<16xf32>
      %add3A_219 = arith.addf %add3A_198, %get3A_209 : vector<16xf32>
      %mul3A_220 = arith.constant 64 : i32
      %mul3A_221 = arith.muli %while3A_178, %mul3A_220 : i32
      %add3A_222 = arith.constant 32 : i32
      %add3A_223 = arith.addi %mul3A_221, %add3A_222 : i32
      %get3A_224 = arith.index_cast %add3A_223 : i32 to index
      %get3A_225 = tpu.vector_load %arg9[%get3A_224] {strides = array<i32>} : memref<16384xf32, #tpu.memory_space<vmem>>, vector<16xf32>,
      %get3A_226 = vector.shape_cast %get3A_225 : vector<16xf32> to vector<16xf32>
      %get3A_227 = arith.index_cast %while3A_178 : i32 to index
      %get3A_228 = arith.constant 32 : index
      %get3A_229 = tpu.vector_load %arg10[%get3A_227, %get3A_228] {strides = array<i32>} : memref<256x64xf32, #tpu.memory_space<vmem>>, vector<1x16xf32>,
      %get3A_230 = vector.shape_cast %get3A_229 : vector<1x16xf32> to vector<16xf32>
      %get3A_231 = arith.index_cast %while3A_178 : i32 to index
      %get3A_232 = arith.constant 32 : index
      %get3A_233 = tpu.vector_load %arg11[%get3A_231, %get3A_232] {strides = array<i32>} : memref<256x64xf32, #tpu.memory_space<vmem>>, vector<1x16xf32>,
      %get3A_234 = vector.shape_cast %get3A_233 : vector<1x16xf32> to vector<16xf32>
      %mul3A_235 = arith.mulf %get3A_226, %get3A_230 : vector<16xf32>
      %mul3A_236 = arith.mulf %get3A_234, %get3A_230 : vector<16xf32>
      %sub3A_237 = arith.subf %mul3A_235, %mul3A_236 : vector<16xf32>
      %abs3A_238 = math.absf %sub3A_237 : vector<16xf32>
      %add3A_239 = arith.addf %add3A_218, %abs3A_238 : vector<16xf32>
      %add3A_240 = arith.addf %add3A_219, %get3A_230 : vector<16xf32>
      %mul3A_241 = arith.constant 64 : i32
      %mul3A_242 = arith.muli %while3A_178, %mul3A_241 : i32
      %add3A_243 = arith.constant 48 : i32
      %add3A_244 = arith.addi %mul3A_242, %add3A_243 : i32
      %get3A_245 = arith.index_cast %add3A_244 : i32 to index
      %get3A_246 = tpu.vector_load %arg9[%get3A_245] {strides = array<i32>} : memref<16384xf32, #tpu.memory_space<vmem>>, vector<16xf32>,
      %get3A_247 = vector.shape_cast %get3A_246 : vector<16xf32> to vector<16xf32>
      %get3A_248 = arith.index_cast %while3A_178 : i32 to index
      %get3A_249 = arith.constant 48 : index
      %get3A_250 = tpu.vector_load %arg10[%get3A_248, %get3A_249] {strides = array<i32>} : memref<256x64xf32, #tpu.memory_space<vmem>>, vector<1x16xf32>,
      %get3A_251 = vector.shape_cast %get3A_250 : vector<1x16xf32> to vector<16xf32>
      %get3A_252 = arith.index_cast %while3A_178 : i32 to index
      %get3A_253 = arith.constant 48 : index
      %get3A_254 = tpu.vector_load %arg11[%get3A_252, %get3A_253] {strides = array<i32>} : memref<256x64xf32, #tpu.memory_space<vmem>>, vector<1x16xf32>,
      %get3A_255 = vector.shape_cast %get3A_254 : vector<1x16xf32> to vector<16xf32>
      %mul3A_256 = arith.mulf %get3A_247, %get3A_251 : vector<16xf32>
      %mul3A_257 = arith.mulf %get3A_255, %get3A_251 : vector<16xf32>
      %sub3A_258 = arith.subf %mul3A_256, %mul3A_257 : vector<16xf32>
      %abs3A_259 = math.absf %sub3A_258 : vector<16xf32>
      %add3A_260 = arith.addf %add3A_239, %abs3A_259 : vector<16xf32>
      %add3A_261 = arith.addf %add3A_240, %get3A_251 : vector<16xf32>
      scf.yield %add3A_260, %add3A_261 : vector<16xf32>, vector<16xf32>
    }
    %while3A_169 = arith.constant 1 : i32
    %while3A_170:2 = scf.for %while3A_178 = %while3A_166 to %while3A_162 step %while3A_169 iter_args(%while3A_179 = %while3A_168#0, %while3A_180 = %while3A_168#1) -> (vector<16xf32>, vector<16xf32>)  : i32 {
      %mul3A_181 = arith.constant 64 : i32
      %mul3A_182 = arith.muli %while3A_178, %mul3A_181 : i32
      %add3A_183 = arith.constant 0 : i32
      %add3A_184 = arith.addi %mul3A_182, %add3A_183 : i32
      %get3A = arith.index_cast %add3A_184 : i32 to index
      %get3A_185 = tpu.vector_load %arg9[%get3A] {strides = array<i32>} : memref<16384xf32, #tpu.memory_space<vmem>>, vector<16xf32>,
      %get3A_186 = vector.shape_cast %get3A_185 : vector<16xf32> to vector<16xf32>
      %get3A_187 = arith.index_cast %while3A_178 : i32 to index
      %get3A_188 = arith.constant 0 : index
      %get3A_189 = tpu.vector_load %arg10[%get3A_187, %get3A_188] {strides = array<i32>} : memref<256x64xf32, #tpu.memory_space<vmem>>, vector<1x16xf32>,
      %get3A_190 = vector.shape_cast %get3A_189 : vector<1x16xf32> to vector<16xf32>
      %get3A_191 = arith.index_cast %while3A_178 : i32 to index
      %get3A_192 = arith.constant 0 : index
      %get3A_193 = tpu.vector_load %arg11[%get3A_191, %get3A_192] {strides = array<i32>} : memref<256x64xf32, #tpu.memory_space<vmem>>, vector<1x16xf32>,
      %get3A_194 = vector.shape_cast %get3A_193 : vector<1x16xf32> to vector<16xf32>
      %mul3A_195 = arith.mulf %get3A_186, %get3A_190 : vector<16xf32>
      %mul3A_196 = arith.mulf %get3A_194, %get3A_190 : vector<16xf32>
      %sub3A = arith.subf %mul3A_195, %mul3A_196 : vector<16xf32>
      %abs3A = math.absf %sub3A : vector<16xf32>
      %add3A_197 = arith.addf %while3A_179, %abs3A : vector<16xf32>
      %add3A_198 = arith.addf %while3A_180, %get3A_190 : vector<16xf32>
      %mul3A_199 = arith.constant 64 : i32
      %mul3A_200 = arith.muli %while3A_178, %mul3A_199 : i32
      %add3A_201 = arith.constant 16 : i32
      %add3A_202 = arith.addi %mul3A_200, %add3A_201 : i32
      %get3A_203 = arith.index_cast %add3A_202 : i32 to index
      %get3A_204 = tpu.vector_load %arg9[%get3A_203] {strides = array<i32>} : memref<16384xf32, #tpu.memory_space<vmem>>, vector<16xf32>,
      %get3A_205 = vector.shape_cast %get3A_204 : vector<16xf32> to vector<16xf32>
      %get3A_206 = arith.index_cast %while3A_178 : i32 to index
      %get3A_207 = arith.constant 16 : index
      %get3A_208 = tpu.vector_load %arg10[%get3A_206, %get3A_207] {strides = array<i32>} : memref<256x64xf32, #tpu.memory_space<vmem>>, vector<1x16xf32>,
      %get3A_209 = vector.shape_cast %get3A_208 : vector<1x16xf32> to vector<16xf32>
      %get3A_210 = arith.index_cast %while3A_178 : i32 to index
      %get3A_211 = arith.constant 16 : index
      %get3A_212 = tpu.vector_load %arg11[%get3A_210, %get3A_211] {strides = array<i32>} : memref<256x64xf32, #tpu.memory_space<vmem>>, vector<1x16xf32>,
      %get3A_213 = vector.shape_cast %get3A_212 : vector<1x16xf32> to vector<16xf32>
      %mul3A_214 = arith.mulf %get3A_205, %get3A_209 : vector<16xf32>
      %mul3A_215 = arith.mulf %get3A_213, %get3A_209 : vector<16xf32>
      %sub3A_216 = arith.subf %mul3A_214, %mul3A_215 : vector<16xf32>
      %abs3A_217 = math.absf %sub3A_216 : vector<16xf32>
      %add3A_218 = arith.addf %add3A_197, %abs3A_217 : vector<16xf32>
      %add3A_219 = arith.addf %add3A_198, %get3A_209 : vector<16xf32>
      %mul3A_220 = arith.constant 64 : i32
      %mul3A_221 = arith.muli %while3A_178, %mul3A_220 : i32
      %add3A_222 = arith.constant 32 : i32
      %add3A_223 = arith.addi %mul3A_221, %add3A_222 : i32
      %get3A_224 = arith.index_cast %add3A_223 : i32 to index
      %get3A_225 = tpu.vector_load %arg9[%get3A_224] {strides = array<i32>} : memref<16384xf32, #tpu.memory_space<vmem>>, vector<16xf32>,
      %get3A_226 = vector.shape_cast %get3A_225 : vector<16xf32> to vector<16xf32>
      %get3A_227 = arith.index_cast %while3A_178 : i32 to index
      %get3A_228 = arith.constant 32 : index
      %get3A_229 = tpu.vector_load %arg10[%get3A_227, %get3A_228] {strides = array<i32>} : memref<256x64xf32, #tpu.memory_space<vmem>>, vector<1x16xf32>,
      %get3A_230 = vector.shape_cast %get3A_229 : vector<1x16xf32> to vector<16xf32>
      %get3A_231 = arith.index_cast %while3A_178 : i32 to index
      %get3A_232 = arith.constant 32 : index
      %get3A_233 = tpu.vector_load %arg11[%get3A_231, %get3A_232] {strides = array<i32>} : memref<256x64xf32, #tpu.memory_space<vmem>>, vector<1x16xf32>,
      %get3A_234 = vector.shape_cast %get3A_233 : vector<1x16xf32> to vector<16xf32>
      %mul3A_235 = arith.mulf %get3A_226, %get3A_230 : vector<16xf32>
      %mul3A_236 = arith.mulf %get3A_234, %get3A_230 : vector<16xf32>
      %sub3A_237 = arith.subf %mul3A_235, %mul3A_236 : vector<16xf32>
      %abs3A_238 = math.absf %sub3A_237 : vector<16xf32>
      %add3A_239 = arith.addf %add3A_218, %abs3A_238 : vector<16xf32>
      %add3A_240 = arith.addf %add3A_219, %get3A_230 : vector<16xf32>
      %mul3A_241 = arith.constant 64 : i32
      %mul3A_242 = arith.muli %while3A_178, %mul3A_241 : i32
      %add3A_243 = arith.constant 48 : i32
      %add3A_244 = arith.addi %mul3A_242, %add3A_243 : i32
      %get3A_245 = arith.index_cast %add3A_244 : i32 to index
      %get3A_246 = tpu.vector_load %arg9[%get3A_245] {strides = array<i32>} : memref<16384xf32, #tpu.memory_space<vmem>>, vector<16xf32>,
      %get3A_247 = vector.shape_cast %get3A_246 : vector<16xf32> to vector<16xf32>
      %get3A_248 = arith.index_cast %while3A_178 : i32 to index
      %get3A_249 = arith.constant 48 : index
      %get3A_250 = tpu.vector_load %arg10[%get3A_248, %get3A_249] {strides = array<i32>} : memref<256x64xf32, #tpu.memory_space<vmem>>, vector<1x16xf32>,
      %get3A_251 = vector.shape_cast %get3A_250 : vector<1x16xf32> to vector<16xf32>
      %get3A_252 = arith.index_cast %while3A_178 : i32 to index
      %get3A_253 = arith.constant 48 : index
      %get3A_254 = tpu.vector_load %arg11[%get3A_252, %get3A_253] {strides = array<i32>} : memref<256x64xf32, #tpu.memory_space<vmem>>, vector<1x16xf32>,
      %get3A_255 = vector.shape_cast %get3A_254 : vector<1x16xf32> to vector<16xf32>
      %mul3A_256 = arith.mulf %get3A_247, %get3A_251 : vector<16xf32>
      %mul3A_257 = arith.mulf %get3A_255, %get3A_251 : vector<16xf32>
      %sub3A_258 = arith.subf %mul3A_256, %mul3A_257 : vector<16xf32>
      %abs3A_259 = math.absf %sub3A_258 : vector<16xf32>
      %add3A_260 = arith.addf %add3A_239, %abs3A_259 : vector<16xf32>
      %add3A_261 = arith.addf %add3A_240, %get3A_251 : vector<16xf32>
      scf.yield %add3A_260, %add3A_261 : vector<16xf32>, vector<16xf32>
    }
    %swap3A = arith.constant 0 : index
    %swap3A_171 = tpu.vector_load %arg12[%swap3A] {strides = array<i32>} : memref<32xf32, #tpu.memory_space<vmem>>, vector<16xf32>,
    %swap3A_172 = vector.shape_cast %swap3A_171 : vector<16xf32> to vector<16xf32>
    %swap3A_173 = vector.shape_cast %while3A_170#0 : vector<16xf32> to vector<16xf32>
    tpu.vector_store %arg12[%swap3A], %swap3A_173 {strides = array<i32>} : memref<32xf32, #tpu.memory_space<vmem>>, vector<16xf32>,
    %swap3A_174 = arith.constant 16 : index
    %swap3A_175 = tpu.vector_load %arg12[%swap3A_174] {strides = array<i32>} : memref<32xf32, #tpu.memory_space<vmem>>, vector<16xf32>,
    %swap3A_176 = vector.shape_cast %swap3A_175 : vector<16xf32> to vector<16xf32>
    %swap3A_177 = vector.shape_cast %while3A_170#1 : vector<16xf32> to vector<16xf32>
    tpu.vector_store %arg12[%swap3A_174], %swap3A_177 {strides = array<i32>} : memref<32xf32, #tpu.memory_space<vmem>>, vector<16xf32>,
    "tpu.region"() ({
      %run_scoped3A = tpu.sem_alloc : memref<!tpu.dma_semaphore, #tpu.memory_space<semaphore_mem>>
      %dma_start3A_178 = arith.constant 0 : i32
      %dma_start3A_179 = tpu.memref_slice %arg6[%add3A, %dma_start3A_178] : memref<32x32xf32, #tpu.memory_space<hbm>> -> memref<1x32xf32, #tpu.memory_space<hbm>>
      %dma_start3A_180 = tpu.memref_squeeze %dma_start3A_179 : memref<1x32xf32, #tpu.memory_space<hbm>> -> memref<32xf32, #tpu.memory_space<hbm>>
      %dma_start3A_181 = arith.constant 0 : i32
      %dma_start3A_182 = tpu.memref_slice %arg6[%add3A, %dma_start3A_181] : memref<32x32xf32, #tpu.memory_space<hbm>> -> memref<1x32xf32, #tpu.memory_space<hbm>>
      %dma_start3A_183 = tpu.memref_squeeze %dma_start3A_182 : memref<1x32xf32, #tpu.memory_space<hbm>> -> memref<32xf32, #tpu.memory_space<hbm>>
      tpu.enqueue_dma source(%arg12 : memref<32xf32, #tpu.memory_space<vmem>>) target(%dma_start3A_183 : memref<32xf32, #tpu.memory_space<hbm>>) target_semaphore(%run_scoped3A : memref<!tpu.dma_semaphore, #tpu.memory_space<semaphore_mem>>)
      %dma_wait3A_184 = arith.constant 0 : i32
      %dma_wait3A_185 = tpu.memref_slice %arg6[%add3A, %dma_wait3A_184] : memref<32x32xf32, #tpu.memory_space<hbm>> -> memref<1x32xf32, #tpu.memory_space<hbm>>
      %dma_wait3A_186 = tpu.memref_squeeze %dma_wait3A_185 : memref<1x32xf32, #tpu.memory_space<hbm>> -> memref<32xf32, #tpu.memory_space<hbm>>
      %dma_wait3A_187 = arith.constant 0 : i32
      %dma_wait3A_188 = tpu.memref_slice %arg6[%add3A, %dma_wait3A_187] : memref<32x32xf32, #tpu.memory_space<hbm>> -> memref<1x32xf32, #tpu.memory_space<hbm>>
      %dma_wait3A_189 = tpu.memref_squeeze %dma_wait3A_188 : memref<1x32xf32, #tpu.memory_space<hbm>> -> memref<32xf32, #tpu.memory_space<hbm>>
      tpu.wait_dma2 semaphore(%run_scoped3A : memref<!tpu.dma_semaphore, #tpu.memory_space<semaphore_mem>>) src(%arg12 : memref<32xf32, #tpu.memory_space<vmem>>) dst(%dma_wait3A_189 : memref<32xf32, #tpu.memory_space<hbm>>)
      tpu.yield
    }) : () -> ()
    return
  }
}

</mosaic_0001>

<sc_bundles>
// kernel: kernel.3.cloned.1.call-start
scs
__scs_entry_jumppad:
0x0: {  	(pc) =	sbr.rel $0x88, $3  }
0x1: {  	(tag) =	ssettag $0x0;
	lr =	simm.s32 $0x1  }
0x2: {  	[smem:$0x3F9D] =	sst lr;
	_ =	strace $0xD0000000  }
0x3: {  	_ = 	snop  }
0x4: {  	_ = 	snop  }
0x5: {  	_ = 	snop  }
0x6: {  	_ = 	snop  }
0x7: {  	_ = 	snop  }
__scs_overlays_trampoline_lowered:
0x8: {  	[smem:$0x3FAC] =	sst s0  }
0x9: {  	[smem:$0x3FAD] =	sst s1  }
0xa: {  	[smem:$0x3FAE] =	sst s2  }
0xb: {  	[smem:$0x3FAF] =	sst s3  }
0xc: {  	[smem:$0x3FB0] =	sst s4  }
0xd: {  	[smem:$0x3FB1] =	sst s5  }
0xe: {  	[smem:$0x3FB2] =	sst s6  }
0xf: {  	[smem:$0x3FB3] =	sst s7  }
0x10: {  	[smem:$0x3FB4] =	sst s8  }
0x11: {  	[smem:$0x3FB5] =	sst s9;
	s0 =	simm.s32 @!p0 $0x0  }
0x12: {  	s1 =	sld [smem:$0x3F9B];
	s0 =	simm.s32 @p0 $0x1  }
0x13: {  	[smem:$0x3FB6] =	sst s0;
	s0 =	simm.s32 @!p1 $0x0  }
0x14: {  	s2 =	sld [smem:$0x3F9A];
	s0 =	simm.s32 @p1 $0x1  }
0x15: {  	[smem:$0x3FB7] =	sst s0;
	s0 =	simm.s32 @!p2 $0x0  }
0x16: {  	s3 =	sld [smem:$0x3FDB];
	s0 =	simm.s32 @p2 $0x1  }
0x17: {  	s4 =	simm.s32 $0x1BF5;
	[smem:$0x3FB9] =	sst s0  }
0x18: {  	s0 =	sld [smem:$0x3F9C];
	_ =	swait.ge [sflag:s4], $0x0  }
0x19: {  	s7 =	sld [smem:$0x3F9D]  }
0x1a: {  	s8 =	sadd.s32 $0xFFFFE003, lr  }
0x1b: {  	s9 =	sadd.s32 $0xFFFFFEF7, lr;
	s5 =	simm.s32 $0xFFFFFFFF;
	p2 =	slt.u32 s8, $0xFFFFF086  }
0x1c: {  	p1 =	slt.u32 s9, $0xF7A;
	s5 =	simm.s32 @!p2 $0x0  }
0x1d: {  	s5 =	simm.s32 @p1 $0x1;
	p0 =	seq.s32 s7, s2  }
0x1e: {  	s7 =	smul.u32 @!p0 $0xF7A, s2;
	p2 =	seq.s32 @!p0 s5, $0x0  }
0x1f: {  	s9 =	smul.u32 $0xF7A, s1;
	s8 =	simm.s32 @!p0 $0x1BF5;
	p2 =	por !p2, p0  }
0x20: {  	[sflag:s8] =	ssyncset.s32 @!p0 $0xFFFFF086;
	s6 =	sadd.s32 @!p0 s3, s7;
	s7 =	simm.s32 @!p0 $0x108  }
0x21: {  	s3 =	sadd.s32 s3, s9;
	s6 =	sadd.s32 @!p0 $0x88, s6;
	s7 =	simm.s32 @p2 $0x1082  }
0x22: {  	[simem:s7], [sflag:s8] =	dma.local @!p0 [hbm:s6], $0xF7A  }
0x23: {  	s9 =	sor.u32 $0xD0000000, s2;
	s6 =	simm.s32 $0x108;
	_ =	swait.ge @!p0 [sflag:s8], $0x0  }
0x24: {  	s3 =	sadd.s32 $0x88, s3;
	s6 =	simm.s32 @!p1 $0x1082;
	[sflag:s4] =	ssyncset.s32 $0xFFFFF086  }
0x25: {  	[simem:s6], [sflag:s4] =	dma.local [hbm:s3], $0xF7A  }
0x26: {  	[smem:$0x3F9D] =	sst s1;
	(tag) =	ssettag s2;
	_ =	strace s9  }
0x27: {  	s1 =	sld [smem:$0x3FAD]  }
0x28: {  	s2 =	sld [smem:$0x3FAE]  }
0x29: {  	s4 =	sld [smem:$0x3FB0]  }
0x2a: {  	p0 =	seq.s32 s5, $0x0;
	s5 =	sld [smem:$0x3FB1]  }
0x2b: {  	s6 =	sld [smem:$0x3FB2]  }
0x2c: {  	s7 =	sld [smem:$0x3FB3]  }
0x2d: {  	s3 =	simm.s32 $0x108;
	s8 =	sld [smem:$0x3FB4]  }
0x2e: {  	s3 =	simm.s32 @!p0 $0x1082;
	s9 =	sld [smem:$0x3FB5]  }
0x2f: {  	lr =	sadd.s32 s0, s3;
	s0 =	sld [smem:$0x3FAC]  }
0x30: {  	s3 =	sld [smem:$0x3FAF]  }
0x31: {  	[smem:$0x3FB8] =	sst s10  }
0x32: {  	s10 =	sld [smem:$0x3FB6];
	_ =	sdelay $0x3  }
0x33: {  	p0 =	seq.s32 s10, $0x1;
	s10 =	sld [smem:$0x3FB8];
	_ =	sdelay $0x3  }
0x34: {  	[smem:$0x3FB8] =	sst s10  }
0x35: {  	s10 =	sld [smem:$0x3FB7];
	_ =	sdelay $0x3  }
0x36: {  	p1 =	seq.s32 s10, $0x1;
	s10 =	sld [smem:$0x3FB8];
	_ =	sdelay $0x3  }
0x37: {  	[smem:$0x3FB8] =	sst s10  }
0x38: {  	s10 =	sld [smem:$0x3FB9]  }
0x39: {  	_ = 	snop;
	(pc) =	sbr.ind lr, $3  }
0x3a: {  	_ = 	snop  }
0x3b: {  	_ = 	snop  }
0x3c: {  	p2 =	seq.s32 s10, $0x1;
	s10 =	sld [smem:$0x3FB8]  }
0x3d: {  	_ =	shalt  }
0x3e: {  	_ =	shalt  }
0x3f: {  	_ =	shalt  }
0x40: {  	_ =	shalt  }
0x41: {  	_ =	shalt  }
0x42: {  	_ =	shalt  }
0x43: {  	_ =	shalt  }
0x44: {  	_ =	shalt  }
0x45: {  	_ =	shalt  }
0x46: {  	_ =	shalt  }
0x47: {  	_ =	shalt  }
0x48: {  	_ =	shalt  }
0x49: {  	_ =	shalt  }
0x4a: {  	_ =	shalt  }
0x4b: {  	_ =	shalt  }
0x4c: {  	_ =	shalt  }
0x4d: {  	_ =	shalt  }
0x4e: {  	_ =	shalt  }
0x4f: {  	_ =	shalt  }
0x50: {  	_ =	shalt  }
0x51: {  	_ =	shalt  }
0x52: {  	_ =	shalt  }
0x53: {  	_ =	shalt  }
0x54: {  	_ =	shalt  }
0x55: {  	_ =	shalt  }
0x56: {  	_ =	shalt  }
0x57: {  	_ =	shalt  }
0x58: {  	_ =	shalt  }
0x59: {  	_ =	shalt  }
0x5a: {  	_ =	shalt  }
0x5b: {  	_ =	shalt  }
0x5c: {  	_ =	shalt  }
0x5d: {  	_ =	shalt  }
0x5e: {  	_ =	shalt  }
0x5f: {  	_ =	shalt  }
0x60: {  	_ =	shalt  }
0x61: {  	_ =	shalt  }
0x62: {  	_ =	shalt  }
0x63: {  	_ =	shalt  }
0x64: {  	_ =	shalt  }
0x65: {  	_ =	shalt  }
0x66: {  	_ =	shalt  }
0x67: {  	_ =	shalt  }
0x68: {  	_ =	shalt  }
0x69: {  	_ =	shalt  }
0x6a: {  	_ =	shalt  }
0x6b: {  	_ =	shalt  }
0x6c: {  	_ =	shalt  }
0x6d: {  	_ =	shalt  }
0x6e: {  	_ =	shalt  }
0x6f: {  	_ =	shalt  }
0x70: {  	_ =	shalt  }
0x71: {  	_ =	shalt  }
0x72: {  	_ =	shalt  }
0x73: {  	_ =	shalt  }
0x74: {  	_ =	shalt  }
0x75: {  	_ =	shalt  }
0x76: {  	_ =	shalt  }
0x77: {  	_ =	shalt  }
0x78: {  	_ =	shalt  }
0x79: {  	_ =	shalt  }
0x7a: {  	_ =	shalt  }
0x7b: {  	_ =	shalt  }
0x7c: {  	_ =	shalt  }
0x7d: {  	_ =	shalt  }
0x7e: {  	_ =	shalt  }
0x7f: {  	_ =	shalt  }
0x80: {  	_ =	shalt  }
0x81: {  	_ =	shalt  }
0x82: {  	_ =	shalt  }
0x83: {  	_ =	shalt  }
0x84: {  	_ =	shalt  }
0x85: {  	_ =	shalt  }
0x86: {  	_ =	shalt  }
0x87: {  	_ =	shalt  }
.Lfunc_end0:
.L_simem_size_0:
called_computation_lowered:
.L_overlay_start_0:
0x88: {  	s2 =	sld [smem:$0x3FD9]  }
0x89: {  	s3 =	sld [smem:$0x3FFE];
	_ =	sdelay $0x1  }
0x8a: {  	s1 =	srdreg.scid  }
0x8b: {  	s0 =	sand.u32 $0x1, s1  }
0x8c: {  	s17 =	sshll.u32 s0, $0xA;
	s2 =	sadd.s32 s3, s2  }
0x8d: {  	s2 =	sadd.s32 s2, s17  }
0x8e: {  	[smem:$0x3FC4] =	sst s2  }
0x8f: {  	_ = 	snop  }
0x90: {  	s2 =	sld [smem:$0x3FC9];
	(tm) =	ssettm $0x1  }
0x91: {  	s18 =	sld [smem:$0x3FFB];
	_ =	sdelay $0x3  }
0x92: {  	_ =	strace s18  }
0x93: {  	s3 =	sld [smem:$0x3FFC];
	_ =	sdelay $0x3  }
0x94: {  	_ =	strace s3  }
0x95: {  	s3 =	sld [smem:$0x3FFD];
	_ =	sdelay $0x3  }
0x96: {  	_ =	strace s3  }
0x97: {  	_ =	strace $0x8FFFFFFF  }
0x98: {  	s19 =	sld [smem:$0x3FDB];
	_ =	sdelay $0x1  }
0x99: {  	s4 =	simm.s32 $_scs_section_size  }
0x9a: {  	s5 =	simm.s32 $_size__tile_overlayer_lowered;
	s6 =	simm.s32 $_tile_overlayer_lowered  }
0x9b: {  	s22 =	simm.s32 $0x1BFF;
	s21 =	sshll.u32 s6, $0x1;
	s3 =	sadd.s32 s4, s19  }
0x9c: {  	s7 =	simm.s32 $0x0;
	s20 =	sshll.u32 s5, $0x1;
	s5 =	sadd.s32 s21, s3  }
0x9d: {  	[timem:s7], [sflag:s22] =	dma.local [hbm:s5], s20  }
0x9e: {  	_ =	swait.ge [sflag:s22], s20  }
0x9f: {  	s4 =	ssub.s32 $0x0, s20;
	[sflag:s22] =	ssyncset.done $0x0  }
0xa0: {  	[sflag:s22] =	ssyncadd.s32 s4;
	_ =	sdelay $0x1  }
0xa1: {  	s23 =	simm.s32 $0x1B8B  }
0xa2: {  	_ =	swait.ge [sflag:s23], $0x1  }
0xa3: {  	[sflag:s23] =	ssyncset.done $0x0  }
0xa4: {  	s25 =	simm.s32 $0x1B8E;
	s24 =	sld [smem:$0x3FFE];
	[sflag:s23] =	ssyncadd.s32 $0xFFFFFFFF  }
0xa5: {  	s26 =	simm.s32 $execute0_lowered;
	[smem:$0x3FD2] =	sst s25  }
0xa6: {  	s5 =	sshll.u32 s26, $0x1;
	_ =	strace $0x80000046;
	[dreg:$0x1] =	wrdreg $0xFFFFFFFF  }
0xa7: {  	s28 =	simm.s32 $_size_execute0_lowered;
	s3 =	sadd.s32 s3, s5;
	[dreg:$0x0] =	wrdreg $0x0  }
0xa8: {  	s5 =	sshll.u32 s28, $0x1;
	[dreg:$0x2] =	wrdreg s3  }
0xa9: {  	[dreg:$0x3] =	wrdreg s5  }
0xaa: {  	[dreg:$0x4] =	wrdreg $0xC0  }
0xab: {  	_ =	task [dreg:s7], $0x5FFFF  }
0xac: {  	[dreg:$0x1] =	wrdreg $0xFFFFFFFF  }
0xad: {  	[dreg:$0x0] =	wrdreg $0x60  }
0xae: {  	[dreg:$0x2] =	wrdreg s2  }
0xaf: {  	[dreg:$0x3] =	wrdreg s24  }
0xb0: {  	[dreg:$0x4] =	wrdreg $0x9  }
0xb1: {  	_ =	task.clear_ibuf [dreg:s7], $0x5FFFF;
	_ =	strace $0x90000046  }
0xb2: {  	s29 =	simm.s32 $0x9;
	_ =	strace $0x80000048  }
0xb3: {  	_ =	swait.ge [sflag:s29], $0x1  }
0xb4: {  	[sflag:s29] =	ssyncadd.s32 $0xFFFFFFFF  }
0xb5: {  	_ =	strace $0x90000048  }
0xb6: {  	_ =	sfence  }
0xb7: {  	s30 =	sld [smem:$0x0];
	_ =	sdelay $0x2  }
0xb8: {  	s31 =	sshll.u32 s1, $0xD;
	s1 =	sshrl.u32 s1, $0x2  }
0xb9: {  	s3 =	sand.u32 $0x4000, s31;
	s1 =	sadd.s32 s1, s30  }
0xba: {  	s0 =	sor.u32 s3, s0;
	s1 =	sshll.u32 s1, $0x11  }
0xbb: {  	s0 =	sor.u32 s1, s0  }
0xbc: {  	s0 =	sadd.s32 $0x8F2B, s0  }
0xbd: {  	[sflag:s0] =	ssyncadd.remote.s32 $0x1  }
0xbe: {  	_ =	sfence.sel $0xFFFF  }
0xbf: {  	[dreg:$0x0] =	wrdreg $0xFFFFFFFF;
	(pc) =	sbr.abs _section_cstart, $3  }
0xc0: {  	[dreg:$0x1] =	wrdreg $0xFFFFFFFF  }
0xc1: {  	_ =	task.clear_ibuf [dreg:s7], $0x2FFFF;
	_ =	strace $0x9FFFFFFF  }
0xc2: {  	(tm) =	ssettm $0x7FFFFFFF  }
0xc3: {  	_ =	shalt  }
tec
execute0_lowered:
.L_overlay_start_1:
0x0: {  	(tag) =	ssettag $0x1  }
0x1: {  	s2 =	rddreg [dreg:$0x0]  }
0x2: {  	s0 =	srdreg.scid;
	s5 =	rddreg [dreg:$0x1];
	s3 =	simm.s32 $0x0  }
0x3: {  	s14 =	simm.s32 $0x1000;
	s15 =	simm.s32 $0x100;
	s16 =	simm.s32 $0x4100  }
0x4: {  	s17 =	simm.s32 $0x1100;
	s18 =	simm.s32 $0x5100;
	s19 =	simm.s32 $0x2100  }
0x5: {  	s21 =	simm.s32 $0x3100;
	s22 =	simm.s32 $0x7100;
	s23 =	simm.s32 $0x1  }
0x6: {  	s24 =	simm.s32 $0x18100;
	s25 =	simm.s32 $0x0;
	s11 =	sand.u32 $0x1, s0  }
0x7: {  	s0 =	stileid.u32;
	[smem:$0x7FF] =	sst s3;
	s8 =	sadd.s32 $0x600, s5  }
0x8: {  	s9 =	sadd.s32 $0x1FE00, s5;
	s1 =	sshll.u32 s11, $0x4;
	s29 =	smul.u32 $0xFC00, s0  }
0x9: {  	s28 =	sshll.u32 s0, $0x7;
	s10 =	ssub.s32 $0x2, s11;
	s13 =	smul.u32 $0x1F80, s0  }
0xa: {  	s20 =	sshll.u32 s0, $0x14;
	p0 =	sne.s32 s11, $0x0;
	s11 =	simm.s32 $0x80  }
0xb: {  	s1 =	sor.u32 s0, s1;
	s6 =	sand.u32 $0x380, s28;
	s30 =	sshrl.u32 s10, $0x1  }
0xc: {  	v1 =	vmov s20;
	s20 =	simm.s32 $0x6100;
	s4 =	sshrl.u32 s1, $0x3;
	s1 =	rddreg [dreg:$0x2]  }
0xd: {  	_ =	strace $0x80000047;
	s31 =	sshrl.u32 s29, $0x3;
	s7 =	sshll.u32 s4, $0xB  }
0xe: {  	s10 =	ssub.s32 s10, s30;
	s4 =	sshll.u32 s4, $0xA;
	s7 =	sor.u32 s6, s7  }
0xf: {  	s10 =	smax.u32 s10, $0x1;
	s4 =	sor.u32 s6, s4;
	s7 =	sshrl.u32 s7, $0x3  }
0x10: {  	v0 =	vlaneseq.u32;
	s6 =	sadd.s32 $0x1000, s31;
	s4 =	sshrl.u32 s4, $0x3;
	s7 =	sadd.s32 s7, s5  }
0x11: {  	v0 =	vmul.u32 $0x4000, v0;
	s12 =	sadd.s32 s4, s5;
	s5 =	sadd.s32 s8, s6;
	s6 =	sadd.s32 s9, s6  }
0x12: {  	s4 =	sadd.s32 $0x3F600, s7;
	s7 =	sadd.s32 s8, s13;
	s8 =	sadd.s32 s9, s13  }
0x13: {  	v2 =	vor.u32 $0x40000, v0;
	v3 =	vor.u32 $0x80000, v0;
	v4 =	vor.u32 $0xC0000, v0;
	s9 =	sadd.s32 $0x3FA00, s12;
	s12 =	simm.s32 $0x400;
	s13 =	simm.s32 $0x4  }
.LBB2_1:
0x14: {  	[tilespmem:s3], [sflag:$0x4] =	stream.strided.gather [hbm4b:s4+s11], $0x100, s12, s11, $0x38;
	[tilespmem:$0x18180] =	vst v63  }
0x15: {  	_ =	swait.ge [sflag:s13], $0x100  }
0x16: {  	[sflag:s13] =	ssyncset.done $0x0  }
0x17: {  	s26 =	simm.s32 @p0 $0x0;
	s28 =	simm.s32 @p0 $0x8100;
	[sflag:s13] =	ssyncadd.s32 $0xFFFFFF00  }
0x18: {  	[tilespmem:s28], [sflag:$0x2] =	stream.linear.gather @p0 [hbm4b:s5+s26], $0x7A00, $0x38;
	[tilespmem:$0x18180] =	vst v63  }
0x19: {  	s28 =	simm.s32 @p0 $0x10100  }
0x1a: {  	[tilespmem:s28], [sflag:$0x3] =	stream.linear.gather @p0 [hbm4b:s6+s26], $0x7A00, $0x38;
	[tilespmem:$0x18180] =	vst v63  }
0x1b: {  	s26 =	simm.s32 @!p0 $0x0;
	s28 =	simm.s32 @!p0 $0x8100  }
0x1c: {  	[tilespmem:s28], [sflag:$0x2] =	stream.linear.gather @!p0 [hbm4b:s7+s26], $0x8000, $0x38;
	[tilespmem:$0x18180] =	vst v63  }
0x1d: {  	s31 =	sand.u32 $0x30, s3;
	s28 =	simm.s32 @!p0 $0x10100  }
0x1e: {  	[tilespmem:s28], [sflag:$0x3] =	stream.linear.gather @!p0 [hbm4b:s8+s26], $0x8000, $0x38;
	[tilespmem:$0x18180] =	vst v63  }
0x1f: {  	v5 =	vld [tilespmem:s31+$0x0];
	_ =	sdelay $0x4  }
0x20: {  	v6 =	vmov s3;
	v5 =	vadd.s32 v1, v5  }
0x21: {  	v5 =	vperm.xlane v5, v6;
	_ =	sdelay $0x1  }
0x22: {  	s26 =	simm.s32 $0x120;
	v6 =	vadd.s32 v0, v5  }
0x23: {  	v7 =	vadd.s32 v2, v5;
	[tilespmem:s26+$0xFFFFFFE0] =	vst v6  }
0x24: {  	v6 =	vadd.s32 v3, v5;
	[tilespmem:s26+$0xFFFFFFF0] =	vst v7  }
0x25: {  	s28 =	simm.s32 $0x1;
	v5 =	vadd.s32 v4, v5;
	[tilespmem:s26+$0x0] =	vst v6  }
0x26: {  	s29 =	simm.s32 $0x2;
	s30 =	sand.u32 $0x30, s28;
	[tilespmem:s26+$0x10] =	vst v5  }
.LBB2_2:
0x27: {  	p1 =	sne.s32 s29, $0x3F;
	v5 =	vld [tilespmem:s30+$0x0];
	_ =	sdelay $0x4  }
0x28: {  	v6 =	vmov s28;
	s28 =	smov.u32 s29;
	v5 =	vadd.s32 v1, v5  }
0x29: {  	v5 =	vperm.xlane v5, v6;
	_ =	sdelay $0x1  }
.Ltmp0:
0x2a: {  	s26 =	sadd.s32 $0x40, s26;
	v6 =	vadd.s32 v0, v5;
	v7 =	vadd.s32 v2, v5;
	v8 =	vadd.s32 v3, v5;
	(pc) =	sbr.rel @p1 .LBB2_2-.Ltmp0, $4  }
0x2b: {  	v5 =	vadd.s32 v4, v5;
	[tilespmem:s26+$0xFFFFFFE0] =	vst v6  }
0x2c: {  	[tilespmem:s26+$0xFFFFFFF0] =	vst v7  }
0x2d: {  	[tilespmem:s26+$0x0] =	vst v8  }
0x2e: {  	s29 =	sadd.s32 $0x1, s29;
	s30 =	sand.u32 $0x30, s28;
	[tilespmem:s26+$0x10] =	vst v5  }
0x2f: {  	v5 =	vld [tilespmem:s30+$0x0];
	_ =	sdelay $0x4  }
0x30: {  	v6 =	vmov s28;
	v5 =	vadd.s32 v1, v5  }
0x31: {  	v5 =	vperm.xlane v5, v6;
	_ =	sdelay $0x1  }
0x32: {  	s26 =	sadd.s32 $0x40, s26;
	v6 =	vadd.s32 v0, v5  }
0x33: {  	v7 =	vadd.s32 v2, v5;
	[tilespmem:s26+$0xFFFFFFE0] =	vst v6  }
0x34: {  	v6 =	vadd.s32 v3, v5;
	[tilespmem:s26+$0xFFFFFFF0] =	vst v7  }
0x35: {  	s31 =	simm.s32 $0x40;
	v5 =	vadd.s32 v4, v5;
	[tilespmem:s26+$0x0] =	vst v6  }
0x36: {  	s28 =	sand.u32 $0x70, s31;
	[tilespmem:s26+$0x10] =	vst v5  }
0x37: {  	[tilespmem:s16], [sflag:$0x1] =	stream.indirect.gather [hbm4b:s2+s14], $0x1, s15, s14, $0xb8;
	[tilespmem:$0x18180] =	vst v63  }
0x38: {  	v5 =	vld [tilespmem:s28+$0x0];
	_ =	sdelay $0x4  }
0x39: {  	v6 =	vmov s31;
	v5 =	vadd.s32 v1, v5  }
0x3a: {  	v5 =	vperm.xlane v5, v6;
	_ =	sdelay $0x1  }
0x3b: {  	s26 =	simm.s32 $0x1130;
	v6 =	vadd.s32 v0, v5  }
0x3c: {  	v7 =	vadd.s32 v2, v5;
	[tilespmem:s26+$0xFFFFFFD0] =	vst v6  }
0x3d: {  	v6 =	vadd.s32 v3, v5;
	[tilespmem:s26+$0xFFFFFFE0] =	vst v7  }
0x3e: {  	s28 =	simm.s32 $0x41;
	v5 =	vadd.s32 v4, v5;
	[tilespmem:s26+$0xFFFFFFF0] =	vst v6  }
0x3f: {  	s29 =	simm.s32 $0x42;
	s30 =	sand.u32 $0x70, s28;
	[tilespmem:s26+$0x0] =	vst v5  }
.LBB2_4:
0x40: {  	p1 =	sne.s32 s29, $0x7F;
	v5 =	vld [tilespmem:s30+$0x0];
	_ =	sdelay $0x4  }
0x41: {  	v6 =	vmov s28;
	s28 =	smov.u32 s29;
	v5 =	vadd.s32 v1, v5  }
0x42: {  	v5 =	vperm.xlane v5, v6;
	_ =	sdelay $0x1  }
.Ltmp1:
0x43: {  	s26 =	sadd.s32 $0x40, s26;
	v6 =	vadd.s32 v0, v5;
	v7 =	vadd.s32 v2, v5;
	v8 =	vadd.s32 v3, v5;
	(pc) =	sbr.rel @p1 .LBB2_4-.Ltmp1, $4  }
0x44: {  	v5 =	vadd.s32 v4, v5;
	[tilespmem:s26+$0xFFFFFFD0] =	vst v6  }
0x45: {  	[tilespmem:s26+$0xFFFFFFE0] =	vst v7  }
0x46: {  	[tilespmem:s26+$0xFFFFFFF0] =	vst v8  }
0x47: {  	s29 =	sadd.s32 $0x1, s29;
	s30 =	sand.u32 $0x70, s28;
	[tilespmem:s26+$0x0] =	vst v5  }
0x48: {  	v5 =	vld [tilespmem:s30+$0x0];
	_ =	sdelay $0x4  }
0x49: {  	v6 =	vmov s28;
	v5 =	vadd.s32 v1, v5  }
0x4a: {  	v5 =	vperm.xlane v5, v6;
	_ =	sdelay $0x1  }
0x4b: {  	s26 =	sadd.s32 $0x40, s26;
	v6 =	vadd.s32 v0, v5  }
0x4c: {  	v7 =	vadd.s32 v2, v5;
	[tilespmem:s26+$0xFFFFFFD0] =	vst v6  }
0x4d: {  	v6 =	vadd.s32 v3, v5;
	[tilespmem:s26+$0xFFFFFFE0] =	vst v7  }
0x4e: {  	s31 =	simm.s32 $0x80;
	v5 =	vadd.s32 v4, v5;
	[tilespmem:s26+$0xFFFFFFF0] =	vst v6  }
0x4f: {  	s28 =	sand.u32 $0xF0, s31;
	[tilespmem:s26+$0x0] =	vst v5  }
0x50: {  	[tilespmem:s18], [sflag:$0x1] =	stream.indirect.gather [hbm4b:s2+s14], $0x1, s17, s14, $0xb8;
	[tilespmem:$0x18180] =	vst v63  }
0x51: {  	v5 =	vld [tilespmem:s28+$0x0];
	_ =	sdelay $0x4  }
0x52: {  	v6 =	vmov s31;
	v5 =	vadd.s32 v1, v5  }
0x53: {  	v5 =	vperm.xlane v5, v6;
	_ =	sdelay $0x1  }
0x54: {  	s26 =	simm.s32 $0x2130;
	v6 =	vadd.s32 v0, v5  }
0x55: {  	v7 =	vadd.s32 v2, v5;
	[tilespmem:s26+$0xFFFFFFD0] =	vst v6  }
0x56: {  	v6 =	vadd.s32 v3, v5;
	[tilespmem:s26+$0xFFFFFFE0] =	vst v7  }
0x57: {  	s28 =	simm.s32 $0x81;
	v5 =	vadd.s32 v4, v5;
	[tilespmem:s26+$0xFFFFFFF0] =	vst v6  }
0x58: {  	s29 =	simm.s32 $0x82;
	s30 =	sand.u32 $0xF0, s28;
	[tilespmem:s26+$0x0] =	vst v5  }
.LBB2_6:
0x59: {  	p1 =	sne.s32 s29, $0xBF;
	v5 =	vld [tilespmem:s30+$0x0];
	_ =	sdelay $0x4  }
0x5a: {  	v6 =	vmov s28;
	s28 =	smov.u32 s29;
	v5 =	vadd.s32 v1, v5  }
0x5b: {  	v5 =	vperm.xlane v5, v6;
	_ =	sdelay $0x1  }
.Ltmp2:
0x5c: {  	s26 =	sadd.s32 $0x40, s26;
	v6 =	vadd.s32 v0, v5;
	v7 =	vadd.s32 v2, v5;
	v8 =	vadd.s32 v3, v5;
	(pc) =	sbr.rel @p1 .LBB2_6-.Ltmp2, $4  }
0x5d: {  	v5 =	vadd.s32 v4, v5;
	[tilespmem:s26+$0xFFFFFFD0] =	vst v6  }
0x5e: {  	[tilespmem:s26+$0xFFFFFFE0] =	vst v7  }
0x5f: {  	[tilespmem:s26+$0xFFFFFFF0] =	vst v8  }
0x60: {  	s29 =	sadd.s32 $0x1, s29;
	s30 =	sand.u32 $0xF0, s28;
	[tilespmem:s26+$0x0] =	vst v5  }
0x61: {  	v5 =	vld [tilespmem:s30+$0x0];
	_ =	sdelay $0x4  }
0x62: {  	v6 =	vmov s28;
	v5 =	vadd.s32 v1, v5  }
0x63: {  	v5 =	vperm.xlane v5, v6;
	_ =	sdelay $0x1  }
0x64: {  	s26 =	sadd.s32 $0x40, s26;
	v6 =	vadd.s32 v0, v5  }
0x65: {  	v7 =	vadd.s32 v2, v5;
	[tilespmem:s26+$0xFFFFFFD0] =	vst v6  }
0x66: {  	v6 =	vadd.s32 v3, v5;
	[tilespmem:s26+$0xFFFFFFE0] =	vst v7  }
0x67: {  	s31 =	simm.s32 $0xC0;
	v5 =	vadd.s32 v4, v5;
	[tilespmem:s26+$0xFFFFFFF0] =	vst v6  }
0x68: {  	s28 =	sand.u32 $0xF0, s31;
	[tilespmem:s26+$0x0] =	vst v5  }
0x69: {  	[tilespmem:s20], [sflag:$0x1] =	stream.indirect.gather [hbm4b:s2+s14], $0x1, s19, s14, $0xb8;
	[tilespmem:$0x18180] =	vst v63  }
0x6a: {  	v5 =	vld [tilespmem:s28+$0x0];
	_ =	sdelay $0x4  }
0x6b: {  	v6 =	vmov s31;
	v5 =	vadd.s32 v1, v5  }
0x6c: {  	v5 =	vperm.xlane v5, v6;
	_ =	sdelay $0x1  }
0x6d: {  	s26 =	simm.s32 $0x3130;
	v6 =	vadd.s32 v0, v5  }
0x6e: {  	v7 =	vadd.s32 v2, v5;
	[tilespmem:s26+$0xFFFFFFD0] =	vst v6  }
0x6f: {  	v6 =	vadd.s32 v3, v5;
	[tilespmem:s26+$0xFFFFFFE0] =	vst v7  }
0x70: {  	s28 =	simm.s32 $0xC1;
	v5 =	vadd.s32 v4, v5;
	[tilespmem:s26+$0xFFFFFFF0] =	vst v6  }
0x71: {  	s29 =	simm.s32 $0xC2;
	s30 =	sand.u32 $0xF0, s28;
	[tilespmem:s26+$0x0] =	vst v5  }
.LBB2_8:
0x72: {  	p1 =	sne.s32 s29, $0xFF;
	v5 =	vld [tilespmem:s30+$0x0];
	_ =	sdelay $0x4  }
0x73: {  	v6 =	vmov s28;
	s28 =	smov.u32 s29;
	v5 =	vadd.s32 v1, v5  }
0x74: {  	v5 =	vperm.xlane v5, v6;
	_ =	sdelay $0x1  }
.Ltmp3:
0x75: {  	s26 =	sadd.s32 $0x40, s26;
	v6 =	vadd.s32 v0, v5;
	v7 =	vadd.s32 v2, v5;
	v8 =	vadd.s32 v3, v5;
	(pc) =	sbr.rel @p1 .LBB2_8-.Ltmp3, $4  }
0x76: {  	v5 =	vadd.s32 v4, v5;
	[tilespmem:s26+$0xFFFFFFD0] =	vst v6  }
0x77: {  	[tilespmem:s26+$0xFFFFFFE0] =	vst v7  }
0x78: {  	[tilespmem:s26+$0xFFFFFFF0] =	vst v8  }
0x79: {  	s29 =	sadd.s32 $0x1, s29;
	s30 =	sand.u32 $0xF0, s28;
	[tilespmem:s26+$0x0] =	vst v5  }
0x7a: {  	v5 =	vld [tilespmem:s30+$0x0];
	_ =	sdelay $0x4  }
0x7b: {  	v6 =	vmov s28;
	v5 =	vadd.s32 v1, v5  }
0x7c: {  	v5 =	vperm.xlane v5, v6;
	_ =	sdelay $0x1  }
0x7d: {  	s26 =	sadd.s32 $0x40, s26;
	v6 =	vadd.s32 v0, v5  }
0x7e: {  	v7 =	vadd.s32 v2, v5;
	[tilespmem:s26+$0xFFFFFFD0] =	vst v6  }
0x7f: {  	v6 =	vadd.s32 v3, v5;
	[tilespmem:s26+$0xFFFFFFE0] =	vst v7  }
0x80: {  	v5 =	vadd.s32 v4, v5;
	[tilespmem:s26+$0xFFFFFFF0] =	vst v6  }
0x81: {  	[tilespmem:s26+$0x0] =	vst v5;
	s26 =	simm.s32 @p0 $0x2  }
0x82: {  	[tilespmem:s22], [sflag:$0x1] =	stream.indirect.gather [hbm4b:s2+s14], $0x1, s21, s14, $0xb8;
	[tilespmem:$0x18180] =	vst v63  }
0x83: {  	_ =	swait.ge @p0 [sflag:s26], $0x7A00  }
0x84: {  	[sflag:s26] =	ssyncset.done @p0 $0x0  }
0x85: {  	[sflag:s26] =	ssyncadd.s32 @p0 $0xFFFF8600;
	s26 =	simm.s32 @p0 $0x3  }
0x86: {  	_ =	swait.ge @p0 [sflag:s26], $0x7A00  }
0x87: {  	[sflag:s26] =	ssyncset.done @p0 $0x0  }
0x88: {  	[sflag:s26] =	ssyncadd.s32 @p0 $0xFFFF8600;
	s26 =	simm.s32 @!p0 $0x2  }
0x89: {  	_ =	swait.ge @!p0 [sflag:s26], $0x8000  }
0x8a: {  	[sflag:s26] =	ssyncset.done @!p0 $0x0  }
0x8b: {  	[sflag:s26] =	ssyncadd.s32 @!p0 $0xFFFF8000;
	s26 =	simm.s32 @!p0 $0x3  }
0x8c: {  	_ =	swait.ge @!p0 [sflag:s26], $0x8000  }
0x8d: {  	[sflag:s26] =	ssyncset.done @!p0 $0x0  }
0x8e: {  	[sflag:s26] =	ssyncadd.s32 @!p0 $0xFFFF8000  }
0x8f: {  	_ =	swait.ge [sflag:s23], $0x1000  }
0x90: {  	[sflag:s23] =	ssyncset.done $0x0  }
0x91: {  	s31 =	simm.s32 $0x4120;
	[sflag:s23] =	ssyncadd.s32 $0xFFFFF000  }
0x92: {  	v9 =	vld [tilespmem:s31+$0x10]  }
0x93: {  	v11 =	vld [tilespmem:s31+$0x0]  }
0x94: {  	v7 =	vld [tilespmem:s31+$0xFFFFFFF0]  }
0x95: {  	v5 =	vld [tilespmem:s31+$0xFFFFFFE0];
	s31 =	simm.s32 $0x0  }
0x96: {  	v13 =	vld [tilespmem:s31+$0x8100]  }
0x97: {  	v10 =	vld [tilespmem:s31+$0x10100]  }
0x98: {  	v8 =	vld [tilespmem:s31+$0x8110]  }
0x99: {  	v12 =	vld [tilespmem:s31+$0x10110]  }
0x9a: {  	v6 =	vld [tilespmem:s31+$0x8120]  }
0x9b: {  	v14 =	vld [tilespmem:s31+$0x10120]  }
0x9c: {  	v15 =	vmul.f32 v13, v5;
	v16 =	vmul.f32 v10, v13;
	v5 =	vld [tilespmem:s31+$0x8130]  }
0x9d: {  	s28 =	simm.s32 $0x4160;
	v17 =	vld [tilespmem:s31+$0x10130]  }
0x9e: {  	v10 =	vld [tilespmem:s28+$0x10];
	v12 =	vmul.f32 v12, v8;
	v15 =	vsub.f32 v15, v16;
	v16 =	vmul.f32 v8, v7  }
0x9f: {  	v18 =	vimm.f32 $0.0e+00;
	v19 =	vmul.f32 v6, v11;
	v11 =	vld [tilespmem:s28+$0xFFFFFFF0]  }
0xa0: {  	v20 =	vmul.f32 v14, v6;
	v7 =	vld [tilespmem:s28+$0x0];
	v15 =	vand.u32 $0x7FFFFFFF, v15;
	v16 =	vsub.f32 v16, v12  }
0xa1: {  	s30 =	simm.s32 $0x80;
	s26 =	simm.s32 @!p0 $0x100;
	v14 =	vadd.f32 v13, v18;
	v12 =	vld [tilespmem:s28+$0xFFFFFFE0];
	v15 =	vadd.f32 v15, v18;
	v13 =	vmul.f32 v5, v9  }
0xa2: {  	s29 =	simm.s32 $0x400;
	s26 =	simm.s32 @p0 $0xF4;
	v9 =	vld [tilespmem:s30+$0x8100];
	v17 =	vmul.f32 v17, v5;
	v18 =	vand.u32 $0x7FFFFFFF, v16;
	v16 =	vsub.f32 v19, v20  }
.LBB2_10:
0xa3: {  	p1 =	sne.s32 s29, $0x7E00;
	v19 =	vld [tilespmem:s30+$0x10100];
	v15 =	vadd.f32 v18, v15;
	v14 =	vadd.f32 v8, v14;
	v18 =	vmov v10  }
0xa4: {  	v8 =	vld [tilespmem:s30+$0x8110];
	v10 =	vand.u32 $0x7FFFFFFF, v16;
	v13 =	vsub.f32 v13, v17  }
0xa5: {  	v16 =	vld [tilespmem:s30+$0x10110];
	v10 =	vadd.f32 v10, v15;
	v14 =	vadd.f32 v6, v14  }
0xa6: {  	v6 =	vld [tilespmem:s30+$0x8120];
	v13 =	vand.u32 $0x7FFFFFFF, v13  }
0xa7: {  	v15 =	vld [tilespmem:s30+$0x10120];
	v13 =	vadd.f32 v13, v10;
	v14 =	vadd.f32 v5, v14  }
0xa8: {  	v12 =	vmul.f32 v9, v12;
	v17 =	vmul.f32 v19, v9;
	v5 =	vld [tilespmem:s30+$0x8130]  }
0xa9: {  	s28 =	sadd.s32 $0x40, s28;
	v19 =	vld [tilespmem:s30+$0x10130]  }
.Ltmp4:
0xaa: {  	v10 =	vld [tilespmem:s28+$0x10];
	v12 =	vsub.f32 v12, v17;
	v17 =	vmul.f32 v8, v11;
	v16 =	vmul.f32 v16, v8;
	(pc) =	sbr.rel @p1 .LBB2_10-.Ltmp4, $4  }
0xab: {  	v20 =	vmul.f32 v6, v7;
	v7 =	vld [tilespmem:s28+$0x0]  }
0xac: {  	v11 =	vld [tilespmem:s28+$0xFFFFFFF0];
	v21 =	vand.u32 $0x7FFFFFFF, v12;
	v16 =	vsub.f32 v17, v16;
	v17 =	vmul.f32 v15, v6  }
0xad: {  	s30 =	sshra.s32 s29, $0x2;
	v14 =	vadd.f32 v9, v14;
	v12 =	vld [tilespmem:s28+$0xFFFFFFE0];
	v15 =	vadd.f32 v21, v13;
	v13 =	vmul.f32 v5, v18  }
0xae: {  	s29 =	sadd.s32 $0x200, s29;
	v9 =	vld [tilespmem:s30+$0x8100];
	v18 =	vand.u32 $0x7FFFFFFF, v16;
	v16 =	vsub.f32 v20, v17;
	v17 =	vmul.f32 v19, v5  }
0xaf: {  	v19 =	vld [tilespmem:s30+$0x10100]  }
0xb0: {  	v20 =	vld [tilespmem:s30+$0x8110]  }
0xb1: {  	v21 =	vld [tilespmem:s30+$0x10110]  }
0xb2: {  	v22 =	vld [tilespmem:s30+$0x8120]  }
0xb3: {  	v23 =	vld [tilespmem:s30+$0x10120]  }
0xb4: {  	v24 =	vld [tilespmem:s30+$0x8130]  }
0xb5: {  	v25 =	vld [tilespmem:s30+$0x10130];
	_ =	swait.ge [sflag:s23], $0x1000  }
0xb6: {  	v8 =	vadd.f32 v8, v14;
	[sflag:s23] =	ssyncset.done $0x0  }
0xb7: {  	v15 =	vadd.f32 v18, v15;
	s28 =	simm.s32 $0x5130;
	[sflag:s23] =	ssyncadd.s32 $0xFFFFF000  }
0xb8: {  	v13 =	vsub.f32 v13, v17;
	v6 =	vadd.f32 v6, v8;
	v17 =	vld [tilespmem:s28+$0x0]  }
0xb9: {  	v14 =	vand.u32 $0x7FFFFFFF, v16;
	v18 =	vld [tilespmem:s28+$0xFFFFFFF0];
	v12 =	vmul.f32 v9, v12;
	v16 =	vmul.f32 v19, v9  }
0xba: {  	v14 =	vadd.f32 v14, v15;
	v8 =	vand.u32 $0x7FFFFFFF, v13;
	v13 =	vld [tilespmem:s28+$0xFFFFFFE0];
	v5 =	vadd.f32 v5, v6  }
0xbb: {  	v11 =	vmul.f32 v20, v11;
	v15 =	vmul.f32 v21, v20;
	v12 =	vsub.f32 v12, v16;
	v16 =	vld [tilespmem:s28+$0xFFFFFFD0];
	s28 =	simm.s32 $0x0  }
0xbc: {  	v8 =	vadd.f32 v8, v14;
	v6 =	vmul.f32 v22, v7;
	v14 =	vld [tilespmem:s28+$0xA100]  }
0xbd: {  	v9 =	vadd.f32 v9, v5;
	v11 =	vsub.f32 v11, v15;
	v7 =	vand.u32 $0x7FFFFFFF, v12;
	v12 =	vld [tilespmem:s28+$0x12100]  }
0xbe: {  	v10 =	vmul.f32 v24, v10;
	v15 =	vmul.f32 v23, v22;
	v19 =	vld [tilespmem:s28+$0x12110];
	v8 =	vadd.f32 v7, v8  }
0xbf: {  	v9 =	vadd.f32 v20, v9;
	v5 =	vand.u32 $0x7FFFFFFF, v11;
	v11 =	vmul.f32 v25, v24;
	v7 =	vld [tilespmem:s28+$0xA110]  }
0xc0: {  	v6 =	vsub.f32 v6, v15;
	v8 =	vadd.f32 v5, v8;
	v5 =	vld [tilespmem:s28+$0xA120]  }
0xc1: {  	v15 =	vld [tilespmem:s28+$0x12120];
	v9 =	vadd.f32 v22, v9;
	v10 =	vsub.f32 v10, v11  }
0xc2: {  	v11 =	vand.u32 $0x7FFFFFFF, v6;
	v6 =	vld [tilespmem:s28+$0xA130];
	v16 =	vmul.f32 v14, v16;
	v12 =	vmul.f32 v12, v14  }
0xc3: {  	v20 =	vld [tilespmem:s28+$0x12130];
	s28 =	simm.s32 $0x5170;
	v9 =	vadd.f32 v24, v9;
	v8 =	vadd.f32 v11, v8;
	v11 =	vand.u32 $0x7FFFFFFF, v10  }
0xc4: {  	s30 =	simm.s32 $0x80;
	v10 =	vld [tilespmem:s28+$0x0];
	v13 =	vmul.f32 v7, v13;
	v12 =	vsub.f32 v16, v12;
	v16 =	vmul.f32 v19, v7  }
0xc5: {  	v14 =	vadd.f32 v14, v9;
	v9 =	vld [tilespmem:s30+$0xA100];
	v19 =	vadd.f32 v11, v8;
	v62 =	vmul.f32 v5, v18  }
0xc6: {  	v8 =	vld [tilespmem:s28+$0xFFFFFFF0];
	v63 =	vmul.f32 v15, v5;
	v18 =	vand.u32 $0x7FFFFFFF, v12;
	v16 =	vsub.f32 v13, v16  }
0xc7: {  	v11 =	vld [tilespmem:s28+$0xFFFFFFE0];
	v13 =	vmul.f32 v6, v17;
	v15 =	vadd.f32 v18, v19  }
0xc8: {  	s29 =	simm.s32 $0x400;
	v12 =	vld [tilespmem:s28+$0xFFFFFFD0];
	v17 =	vmul.f32 v20, v6;
	v18 =	vand.u32 $0x7FFFFFFF, v16;
	v16 =	vsub.f32 v62, v63  }
.LBB2_12:
0xc9: {  	p1 =	sne.s32 s29, $0x7E00;
	v19 =	vld [tilespmem:s30+$0x12100];
	v15 =	vadd.f32 v18, v15;
	v14 =	vadd.f32 v7, v14;
	v18 =	vmov v10  }
0xca: {  	v7 =	vld [tilespmem:s30+$0xA110];
	v10 =	vand.u32 $0x7FFFFFFF, v16;
	v13 =	vsub.f32 v13, v17  }
0xcb: {  	v16 =	vld [tilespmem:s30+$0x12110];
	v10 =	vadd.f32 v10, v15;
	v14 =	vadd.f32 v5, v14  }
0xcc: {  	v5 =	vld [tilespmem:s30+$0xA120];
	v13 =	vand.u32 $0x7FFFFFFF, v13  }
0xcd: {  	v15 =	vld [tilespmem:s30+$0x12120];
	v13 =	vadd.f32 v13, v10;
	v14 =	vadd.f32 v6, v14  }
0xce: {  	v12 =	vmul.f32 v9, v12;
	v17 =	vmul.f32 v19, v9;
	v6 =	vld [tilespmem:s30+$0xA130]  }
0xcf: {  	s28 =	sadd.s32 $0x40, s28;
	v19 =	vld [tilespmem:s30+$0x12130]  }
.Ltmp5:
0xd0: {  	v10 =	vld [tilespmem:s28+$0x0];
	v12 =	vsub.f32 v12, v17;
	v17 =	vmul.f32 v7, v11;
	v16 =	vmul.f32 v16, v7;
	(pc) =	sbr.rel @p1 .LBB2_12-.Ltmp5, $4  }
0xd1: {  	v20 =	vmul.f32 v5, v8;
	v8 =	vld [tilespmem:s28+$0xFFFFFFF0]  }
0xd2: {  	v11 =	vld [tilespmem:s28+$0xFFFFFFE0];
	v21 =	vand.u32 $0x7FFFFFFF, v12;
	v16 =	vsub.f32 v17, v16;
	v17 =	vmul.f32 v15, v5  }
0xd3: {  	s30 =	sshra.s32 s29, $0x2;
	v14 =	vadd.f32 v9, v14;
	v12 =	vld [tilespmem:s28+$0xFFFFFFD0];
	v15 =	vadd.f32 v21, v13;
	v13 =	vmul.f32 v6, v18  }
0xd4: {  	s29 =	sadd.s32 $0x200, s29;
	v9 =	vld [tilespmem:s30+$0xA100];
	v18 =	vand.u32 $0x7FFFFFFF, v16;
	v16 =	vsub.f32 v20, v17;
	v17 =	vmul.f32 v19, v6  }
0xd5: {  	v19 =	vld [tilespmem:s30+$0x12100]  }
0xd6: {  	v20 =	vld [tilespmem:s30+$0xA110]  }
0xd7: {  	v21 =	vld [tilespmem:s30+$0x12110]  }
0xd8: {  	v22 =	vld [tilespmem:s30+$0xA120]  }
0xd9: {  	v23 =	vld [tilespmem:s30+$0x12120]  }
0xda: {  	v24 =	vld [tilespmem:s30+$0xA130]  }
0xdb: {  	v25 =	vld [tilespmem:s30+$0x12130];
	_ =	swait.ge [sflag:s23], $0x1000  }
0xdc: {  	v7 =	vadd.f32 v7, v14;
	[sflag:s23] =	ssyncset.done $0x0  }
0xdd: {  	v15 =	vadd.f32 v18, v15;
	s28 =	simm.s32 $0x6130;
	[sflag:s23] =	ssyncadd.s32 $0xFFFFF000  }
0xde: {  	v13 =	vsub.f32 v13, v17;
	v5 =	vadd.f32 v5, v7;
	v17 =	vld [tilespmem:s28+$0x0]  }
0xdf: {  	v14 =	vand.u32 $0x7FFFFFFF, v16;
	v18 =	vld [tilespmem:s28+$0xFFFFFFF0];
	v12 =	vmul.f32 v9, v12;
	v16 =	vmul.f32 v19, v9  }
0xe0: {  	v14 =	vadd.f32 v14, v15;
	v7 =	vand.u32 $0x7FFFFFFF, v13;
	v13 =	vld [tilespmem:s28+$0xFFFFFFE0];
	v5 =	vadd.f32 v6, v5  }
0xe1: {  	v11 =	vmul.f32 v20, v11;
	v15 =	vmul.f32 v21, v20;
	v12 =	vsub.f32 v12, v16;
	v16 =	vld [tilespmem:s28+$0xFFFFFFD0];
	s28 =	simm.s32 $0x0  }
0xe2: {  	v7 =	vadd.f32 v7, v14;
	v6 =	vmul.f32 v22, v8;
	v14 =	vld [tilespmem:s28+$0xC100]  }
0xe3: {  	v9 =	vadd.f32 v9, v5;
	v11 =	vsub.f32 v11, v15;
	v8 =	vand.u32 $0x7FFFFFFF, v12;
	v12 =	vld [tilespmem:s28+$0x14100]  }
0xe4: {  	v10 =	vmul.f32 v24, v10;
	v15 =	vmul.f32 v23, v22;
	v19 =	vld [tilespmem:s28+$0x14110];
	v8 =	vadd.f32 v8, v7  }
0xe5: {  	v9 =	vadd.f32 v20, v9;
	v5 =	vand.u32 $0x7FFFFFFF, v11;
	v11 =	vmul.f32 v25, v24;
	v7 =	vld [tilespmem:s28+$0xC110]  }
0xe6: {  	v6 =	vsub.f32 v6, v15;
	v8 =	vadd.f32 v5, v8;
	v5 =	vld [tilespmem:s28+$0xC120]  }
0xe7: {  	v15 =	vld [tilespmem:s28+$0x14120];
	v9 =	vadd.f32 v22, v9;
	v10 =	vsub.f32 v10, v11  }
0xe8: {  	v11 =	vand.u32 $0x7FFFFFFF, v6;
	v6 =	vld [tilespmem:s28+$0xC130];
	v16 =	vmul.f32 v14, v16;
	v12 =	vmul.f32 v12, v14  }
0xe9: {  	v20 =	vld [tilespmem:s28+$0x14130];
	s28 =	simm.s32 $0x6170;
	v9 =	vadd.f32 v24, v9;
	v8 =	vadd.f32 v11, v8;
	v11 =	vand.u32 $0x7FFFFFFF, v10  }
0xea: {  	s30 =	simm.s32 $0x80;
	v10 =	vld [tilespmem:s28+$0x0];
	v13 =	vmul.f32 v7, v13;
	v12 =	vsub.f32 v16, v12;
	v16 =	vmul.f32 v19, v7  }
0xeb: {  	v14 =	vadd.f32 v14, v9;
	v9 =	vld [tilespmem:s30+$0xC100];
	v19 =	vadd.f32 v11, v8;
	v62 =	vmul.f32 v5, v18  }
0xec: {  	v8 =	vld [tilespmem:s28+$0xFFFFFFF0];
	v63 =	vmul.f32 v15, v5;
	v18 =	vand.u32 $0x7FFFFFFF, v12;
	v16 =	vsub.f32 v13, v16  }
0xed: {  	v11 =	vld [tilespmem:s28+$0xFFFFFFE0];
	v13 =	vmul.f32 v6, v17;
	v15 =	vadd.f32 v18, v19  }
0xee: {  	s29 =	simm.s32 $0x400;
	v12 =	vld [tilespmem:s28+$0xFFFFFFD0];
	v17 =	vmul.f32 v20, v6;
	v18 =	vand.u32 $0x7FFFFFFF, v16;
	v16 =	vsub.f32 v62, v63  }
.LBB2_14:
0xef: {  	p1 =	sne.s32 s29, $0x7E00;
	v19 =	vld [tilespmem:s30+$0x14100];
	v15 =	vadd.f32 v18, v15;
	v14 =	vadd.f32 v7, v14;
	v18 =	vmov v10  }
0xf0: {  	v7 =	vld [tilespmem:s30+$0xC110];
	v10 =	vand.u32 $0x7FFFFFFF, v16;
	v13 =	vsub.f32 v13, v17  }
0xf1: {  	v16 =	vld [tilespmem:s30+$0x14110];
	v10 =	vadd.f32 v10, v15;
	v14 =	vadd.f32 v5, v14  }
0xf2: {  	v5 =	vld [tilespmem:s30+$0xC120];
	v13 =	vand.u32 $0x7FFFFFFF, v13  }
0xf3: {  	v15 =	vld [tilespmem:s30+$0x14120];
	v13 =	vadd.f32 v13, v10;
	v14 =	vadd.f32 v6, v14  }
0xf4: {  	v12 =	vmul.f32 v9, v12;
	v17 =	vmul.f32 v19, v9;
	v6 =	vld [tilespmem:s30+$0xC130]  }
0xf5: {  	s28 =	sadd.s32 $0x40, s28;
	v19 =	vld [tilespmem:s30+$0x14130]  }
.Ltmp6:
0xf6: {  	v10 =	vld [tilespmem:s28+$0x0];
	v12 =	vsub.f32 v12, v17;
	v17 =	vmul.f32 v7, v11;
	v16 =	vmul.f32 v16, v7;
	(pc) =	sbr.rel @p1 .LBB2_14-.Ltmp6, $4  }
0xf7: {  	v20 =	vmul.f32 v5, v8;
	v8 =	vld [tilespmem:s28+$0xFFFFFFF0]  }
0xf8: {  	v11 =	vld [tilespmem:s28+$0xFFFFFFE0];
	v21 =	vand.u32 $0x7FFFFFFF, v12;
	v16 =	vsub.f32 v17, v16;
	v17 =	vmul.f32 v15, v5  }
0xf9: {  	s30 =	sshra.s32 s29, $0x2;
	v14 =	vadd.f32 v9, v14;
	v12 =	vld [tilespmem:s28+$0xFFFFFFD0];
	v15 =	vadd.f32 v21, v13;
	v13 =	vmul.f32 v6, v18  }
0xfa: {  	s29 =	sadd.s32 $0x200, s29;
	v9 =	vld [tilespmem:s30+$0xC100];
	v18 =	vand.u32 $0x7FFFFFFF, v16;
	v16 =	vsub.f32 v20, v17;
	v17 =	vmul.f32 v19, v6  }
0xfb: {  	v19 =	vld [tilespmem:s30+$0x14100]  }
0xfc: {  	v20 =	vld [tilespmem:s30+$0xC110]  }
0xfd: {  	v21 =	vld [tilespmem:s30+$0x14110]  }
0xfe: {  	v22 =	vld [tilespmem:s30+$0xC120]  }
0xff: {  	v23 =	vld [tilespmem:s30+$0x14120]  }
0x100: {  	v24 =	vld [tilespmem:s30+$0xC130]  }
0x101: {  	v25 =	vld [tilespmem:s30+$0x14130];
	v15 =	vadd.f32 v18, v15;
	_ =	swait.ge [sflag:s23], $0x1000  }
0x102: {  	v7 =	vadd.f32 v7, v14;
	v13 =	vsub.f32 v13, v17;
	[sflag:s23] =	ssyncset.done $0x0  }
0x103: {  	s28 =	simm.s32 $0x7130;
	v14 =	vand.u32 $0x7FFFFFFF, v16;
	[sflag:s23] =	ssyncadd.s32 $0xFFFFF000;
	v12 =	vmul.f32 v9, v12;
	v16 =	vmul.f32 v19, v9  }
0x104: {  	v14 =	vadd.f32 v14, v15;
	v15 =	vadd.f32 v5, v7;
	v13 =	vand.u32 $0x7FFFFFFF, v13;
	v7 =	vld [tilespmem:s28+$0x0]  }
0x105: {  	s29 =	simm.s32 $0x0;
	v5 =	vld [tilespmem:s28+$0xFFFFFFF0];
	v17 =	vmul.f32 v21, v20;
	v12 =	vsub.f32 v12, v16;
	v16 =	vmul.f32 v20, v11  }
0x106: {  	v18 =	vld [tilespmem:s29+$0x16100];
	v13 =	vadd.f32 v13, v14;
	v6 =	vadd.f32 v6, v15;
	v14 =	vmul.f32 v22, v8  }
0x107: {  	v15 =	vmul.f32 v23, v22;
	v11 =	vld [tilespmem:s28+$0xFFFFFFE0];
	v8 =	vand.u32 $0x7FFFFFFF, v12;
	v12 =	vsub.f32 v16, v17  }
0x108: {  	s26 =	sshll.u32 s26, $0x9;
	v10 =	vmul.f32 v24, v10;
	v9 =	vadd.f32 v9, v6;
	v17 =	vld [tilespmem:s28+$0xFFFFFFD0];
	v13 =	vadd.f32 v8, v13  }
0x109: {  	s26 =	sadd.s32 $0xFFFE8000, s26;
	v8 =	vld [tilespmem:s29+$0xE100];
	v6 =	vand.u32 $0x7FFFFFFF, v12;
	v12 =	vsub.f32 v14, v15;
	v14 =	vmul.f32 v25, v24  }
0x10a: {  	p1 =	sne.s32 s26, $0x200;
	v15 =	vadd.f32 v6, v13;
	v6 =	vld [tilespmem:s29+$0xE110]  }
.Ltmp7:
0x10b: {  	v16 =	vadd.f32 v20, v9;
	v13 =	vld [tilespmem:s29+$0x16110];
	v9 =	vand.u32 $0x7FFFFFFF, v12;
	v10 =	vsub.f32 v10, v14;
	(pc) =	sbr.rel @!p1 .LBB2_17-.Ltmp7, $4  }
0x10c: {  	v12 =	vadd.f32 v9, v15;
	v9 =	vld [tilespmem:s29+$0xE120]  }
0x10d: {  	v14 =	vadd.f32 v22, v16;
	v16 =	vld [tilespmem:s29+$0x16120];
	v10 =	vand.u32 $0x7FFFFFFF, v10  }
0x10e: {  	v17 =	vmul.f32 v8, v17;
	v18 =	vmul.f32 v18, v8;
	v12 =	vadd.f32 v10, v12;
	v10 =	vld [tilespmem:s29+$0xE130]  }
0x10f: {  	s28 =	simm.s32 $0x200;
	v15 =	vadd.f32 v24, v14;
	v14 =	vld [tilespmem:s29+$0x16130];
	s29 =	simm.s32 $0x7170  }
.LBB2_16:
0x110: {  	v19 =	vld [tilespmem:s29+$0x0];
	v17 =	vsub.f32 v17, v18;
	v18 =	vmul.f32 v6, v11;
	v13 =	vmul.f32 v13, v6  }
0x111: {  	v20 =	vmul.f32 v9, v5;
	v5 =	vld [tilespmem:s29+$0xFFFFFFF0]  }
0x112: {  	v11 =	vld [tilespmem:s29+$0xFFFFFFE0];
	v17 =	vand.u32 $0x7FFFFFFF, v17;
	v13 =	vsub.f32 v18, v13;
	v16 =	vmul.f32 v16, v9  }
0x113: {  	s30 =	sshra.s32 s28, $0x2;
	v15 =	vadd.f32 v8, v15;
	v18 =	vld [tilespmem:s29+$0xFFFFFFD0];
	v12 =	vadd.f32 v17, v12;
	v17 =	vmul.f32 v10, v7  }
0x114: {  	s28 =	sadd.s32 $0x200, s28;
	v8 =	vld [tilespmem:s30+$0xE100];
	v21 =	vand.u32 $0x7FFFFFFF, v13;
	v13 =	vsub.f32 v20, v16;
	v14 =	vmul.f32 v14, v10  }
0x115: {  	p1 =	sne.s32 s26, s28;
	v15 =	vadd.f32 v6, v15;
	v20 =	vld [tilespmem:s30+$0x16100];
	v12 =	vadd.f32 v21, v12;
	v7 =	vmov v19  }
0x116: {  	v6 =	vld [tilespmem:s30+$0xE110];
	v16 =	vand.u32 $0x7FFFFFFF, v13;
	v14 =	vsub.f32 v17, v14  }
.Ltmp8:
0x117: {  	v15 =	vadd.f32 v9, v15;
	v13 =	vld [tilespmem:s30+$0x16110];
	v12 =	vadd.f32 v16, v12;
	(pc) =	sbr.rel @p1 .LBB2_16-.Ltmp8, $4  }
0x118: {  	v9 =	vld [tilespmem:s30+$0xE120];
	v14 =	vand.u32 $0x7FFFFFFF, v14  }
0x119: {  	v15 =	vadd.f32 v10, v15;
	v16 =	vld [tilespmem:s30+$0x16120];
	v12 =	vadd.f32 v14, v12  }
0x11a: {  	v17 =	vmul.f32 v8, v18;
	v18 =	vmul.f32 v20, v8;
	v10 =	vld [tilespmem:s30+$0xE130]  }
0x11b: {  	s29 =	sadd.s32 $0x40, s29;
	v14 =	vld [tilespmem:s30+$0x16130]  }
.LBB2_17:
0x11c: {  	v17 =	vsub.f32 v17, v18;
	v11 =	vmul.f32 v6, v11;
	v13 =	vmul.f32 v13, v6  }
0x11d: {  	v5 =	vmul.f32 v9, v5;
	v8 =	vadd.f32 v8, v15  }
0x11e: {  	v17 =	vand.u32 $0x7FFFFFFF, v17;
	v11 =	vsub.f32 v11, v13;
	v62 =	vmul.f32 v16, v9  }
0x11f: {  	v12 =	vadd.f32 v17, v12;
	v7 =	vmul.f32 v10, v7;
	v6 =	vadd.f32 v6, v8  }
0x120: {  	v11 =	vand.u32 $0x7FFFFFFF, v11;
	v5 =	vsub.f32 v5, v62;
	v63 =	vmul.f32 v14, v10  }
0x121: {  	v11 =	vadd.f32 v11, v12  }
0x122: {  	v6 =	vadd.f32 v9, v6;
	v5 =	vand.u32 $0x7FFFFFFF, v5;
	v7 =	vsub.f32 v7, v63  }
0x123: {  	v5 =	vadd.f32 v5, v11  }
0x124: {  	v6 =	vadd.f32 v10, v6;
	v7 =	vand.u32 $0x7FFFFFFF, v7  }
0x125: {  	s25 =	sadd.s32 $0x1, s25;
	v5 =	vadd.f32 v7, v5  }
0x126: {  	p1 =	sne.s32 s25, s10;
	[tilespmem:$0x18110] =	vst v6  }
.Ltmp9:
0x127: {  	[tilespmem:$0x18100] =	vst v5;
	(pc) =	sbr.rel @p1 .LBB2_1-.Ltmp9, $4  }
0x128: {  	[hbm4b:s9+s3] =	stream.linear.scatter [tilespmem:s24], [sflag:$0x4], $0x80, $0x38;
	[tilespmem:$0x18180] =	vst v63  }
0x129: {  	_ =	swait.ge [sflag:s13], $0x80  }
0x12a: {  	[sflag:s13] =	ssyncset.done $0x0  }
0x12b: {  	[sflag:s13] =	ssyncadd.s32 $0xFFFFFF80  }
0x12c: {  	_ =	sfence.sel $0x180000  }
0x12d: {  	[bflag:$0x0] =	sbarrier.arrive $0xFFFF  }
0x12e: {  	p0 =	sne.s32 s0, $0x0;
	_ =	strace $0x90000047  }
0x12f: {  	s0 =	sadd.s32 @!p0 $0x100000, s1;
	[bflag:$0x2] =	sbarrier.arrive $0xFFFF  }
0x130: {  	[sflag:s0] =	ssyncadd.tile.s32 @!p0 $0x1;
	_ =	shalt  }
.Lfunc_end2:
_tile_overlayer_lowered:
.L_overlay_start_2:
0x131: {  	(tag) =	ssettag $0x2  }
0x132: {  	s0 =	rddreg [dreg:$0x0];
	s2 =	stileid.u32  }
0x133: {  	s1 =	rddreg [dreg:$0x1];
	p0 =	sne.s32 s2, $0x0  }
0x134: {  	s3 =	rddreg [dreg:$0x2];
	[bflag:$0x3] =	sbarrier.arrive $0xFFFF;
	s2 =	simm.s32 @!p0 $0x1C04  }
0x135: {  	[timem:s3], [sflag:s2] =	dma.local @!p0 [hbm:s0], s1  }
0x136: {  	s0 =	simm.s32 @!p0 $0x4  }
0x137: {  	_ =	swait.ge @!p0 [sflag:s0], s1  }
0x138: {  	s1 =	ssub.s32 @!p0 $0x0, s1;
	[sflag:s0] =	ssyncset.done @!p0 $0x0  }
0x139: {  	[sflag:s0] =	ssyncadd.s32 @!p0 s1  }
0x13a: {  	[bflag:$0x3] =	sbarrier.arrive $0xFFFF  }
0x13b: {  	_ =	shalt  }

</sc_bundles>
